<compile_context>
chip_gen: v7x
topology: tpu7x:2x2x1
jax: 0.10.2.dev20260603
libtpu: 0.0.44.dev20260713+nightly
codegen_flags: <defaults>
</compile_context>

<pallas_src>
import functools

import jax
import jax.numpy as jnp
from jax import lax
from jax.experimental import pallas as pl
from jax.experimental.pallas import tpu as pltpu
from jax.experimental.pallas import tpu_sc as plsc

GRID = 256
SENSOR = 128
TEMPORAL = 512
NNZ = 4194304
M = SENSOR * TEMPORAL
N = GRID * GRID
L = 16
NC = 2
NS = 16
NW = NC * NS
NNZ_PER_TILE = NNZ // NW
CHUNK = 4096
NUM_CHUNKS = NNZ_PER_TILE // CHUNK
VECS_PER_CHUNK = CHUNK // L
UNROLL = 8


def _coo_spmv_partials(packed_field, indices_row, indices_col, values):
    mesh = plsc.VectorSubcoreMesh(core_axis_name="c", subcore_axis_name="s")

    @functools.partial(
        pl.kernel,
        out_type=jax.ShapeDtypeStruct((NW, M), jnp.float32),
        mesh=mesh,
        compiler_params=pltpu.CompilerParams(
            needs_layout_passes=False,
            use_tc_tiling_on_sc=False,
        ),
        scratch_types=[
            pltpu.VMEM((N // 2,), jnp.int32),
            pltpu.VMEM((M,), jnp.float32),
            pltpu.VMEM((CHUNK,), jnp.int32),
            pltpu.VMEM((CHUNK,), jnp.int32),
            pltpu.VMEM((CHUNK,), jnp.float32),
            pltpu.VMEM((CHUNK,), jnp.int32),
            pltpu.VMEM((CHUNK,), jnp.int32),
            pltpu.VMEM((CHUNK,), jnp.float32),
            pltpu.SemaphoreType.DMA,
            pltpu.SemaphoreType.DMA,
        ],
    )
    def k(field_hbm, row_hbm, col_hbm, val_hbm, out_hbm,
          field_v, acc_v, rowa, cola, vala, rowb, colb, valb,
          sem_a, sem_b):
        cid = lax.axis_index("c")
        sid = lax.axis_index("s")
        wid = cid * NS + sid

        base0 = (lax.axis_index("c") * NS + lax.axis_index("s")) * NNZ_PER_TILE
        pltpu.async_copy(row_hbm.at[pl.ds(base0, CHUNK)], rowa, sem_a)
        pltpu.async_copy(col_hbm.at[pl.ds(base0, CHUNK)], cola, sem_a)
        pltpu.async_copy(val_hbm.at[pl.ds(base0, CHUNK)], vala, sem_a)
        pltpu.sync_copy(field_hbm, field_v)

        zero16 = jnp.zeros((L,), jnp.float32)

        def zero_acc(i, carry):
            acc_v[pl.ds(i * L, L)] = zero16
            return carry
        lax.fori_loop(0, M // L, zero_acc, 0)

        base = wid * NNZ_PER_TILE
        last_off = base + NNZ_PER_TILE - CHUNK

        def start_chunk(off, rbuf, cbuf, vbuf, sem):
            pltpu.async_copy(row_hbm.at[pl.ds(off, CHUNK)], rbuf, sem)
            pltpu.async_copy(col_hbm.at[pl.ds(off, CHUNK)], cbuf, sem)
            pltpu.async_copy(val_hbm.at[pl.ds(off, CHUNK)], vbuf, sem)

        def wait_chunk(rbuf, cbuf, vbuf, sem):
            pltpu.make_async_copy(row_hbm.at[pl.ds(0, CHUNK)], rbuf,
                                  sem).wait()
            pltpu.make_async_copy(col_hbm.at[pl.ds(0, CHUNK)], cbuf,
                                  sem).wait()
            pltpu.make_async_copy(val_hbm.at[pl.ds(0, CHUNK)], vbuf,
                                  sem).wait()

        def compute_chunk(rbuf, cbuf, vbuf):
            def vec_body(j, inner):
                for u in range(UNROLL):
                    o = j * (UNROLL * L) + u * L
                    row = rbuf[pl.ds(o, L)]
                    col = cbuf[pl.ds(o, L)]
                    val = vbuf[pl.ds(o, L)]
                    w = plsc.load_gather(
                        field_v, [lax.shift_right_logical(col, 1)])
                    sel = lax.shift_left(lax.bitwise_and(col, 1), 4)
                    bits = lax.shift_left(
                        lax.shift_right_logical(w, sel), 16)
                    g = plsc.bitcast(bits, jnp.float32)
                    contrib = val * g
                    plsc.addupdate_scatter(acc_v, [row], contrib)
                return inner
            lax.fori_loop(0, VECS_PER_CHUNK // UNROLL, vec_body, 0)

        def pair_body(c, carry):
            off_b = base + (2 * c + 1) * CHUNK
            start_chunk(off_b, rowb, colb, valb, sem_b)
            wait_chunk(rowa, cola, vala, sem_a)
            compute_chunk(rowa, cola, vala)
            off_a = lax.min(base + (2 * c + 2) * CHUNK, last_off)
            start_chunk(off_a, rowa, cola, vala, sem_a)
            wait_chunk(rowb, colb, valb, sem_b)
            compute_chunk(rowb, colb, valb)
            return carry
        lax.fori_loop(0, NUM_CHUNKS // 2, pair_body, 0)
        wait_chunk(rowa, cola, vala, sem_a)

        pltpu.sync_copy(acc_v, out_hbm.at[wid])

    return k(packed_field, indices_row, indices_col, values)


def _combine_partials(parts):
    def body(in_ref, out_ref):
        acc = in_ref[0]
        for t in range(1, NW):
            acc = acc + in_ref[t]
        out_ref[...] = acc

    return pl.pallas_call(
        body,
        out_shape=jax.ShapeDtypeStruct((TEMPORAL, SENSOR), jnp.float32),
    )(parts.reshape(NW, TEMPORAL, SENSOR))


def kernel(field_map, indices_row, indices_col, values):
    flat_field = field_map.transpose().reshape(-1)
    packed = jax.lax.bitcast_convert_type(
        flat_field.astype(jnp.bfloat16).reshape(-1, 2), jnp.int32)
    parts = _coo_spmv_partials(packed, indices_row, indices_col, values)
    return _combine_partials(parts)

# --- scband reference (transcript-rebuilt; emitter-appended) ---
"""Pipeline reference for scband-acoustic-physics-engine-86792699117905 (READ-ONLY COPY).

The authoritative reference and input builder live on the scoring server;
editing this copy changes nothing except your own understanding.
"""

import jax, jax.numpy as jnp
import numpy as np

GRID = 256
SENSOR = 128
TEMPORAL = 512
NNZ = 4194304
GAIN = 1.0
M = SENSOR * TEMPORAL
N = GRID * GRID


def setup_inputs(seed: int = 0) -> dict:
    key = jax.random.key(seed)
    k1, k2, k3, k4 = jax.random.split(key, 4)
    field_map = jax.random.normal(k1, (GRID, GRID), dtype=jnp.float32)
    indices_row = jax.random.randint(k2, (NNZ,), 0, M, dtype=jnp.int32)
    indices_col = jax.random.randint(k3, (NNZ,), 0, N, dtype=jnp.int32)
    values = jax.random.normal(k4, (NNZ,), dtype=jnp.float32)
    return {
        "field_map": field_map,
        "indices_row": indices_row,
        "indices_col": indices_col,
        "values": values,
    }


def reference(field_map, indices_row, indices_col, values):
    # _domain_flatten: permute(1,0).reshape(-1,1) == column-major flatten of field_map
    flat_field = field_map.transpose().reshape(-1)
    # COO sparse matmul A @ flat_field: gather from flat_field at col indices,
    # multiply by values, scatter-add into rows (segment_sum).
    contrib = values * jnp.take(flat_field, indices_col, axis=0)
    sensor_response = jax.ops.segment_sum(contrib, indices_row, num_segments=M)
    sensor_response = sensor_response * GAIN
    return sensor_response.reshape(TEMPORAL, SENSOR)

if __name__ == "__main__":
    import jax
    _d = setup_inputs()
    print(jax.jit(kernel)(*tuple(_d.values())))

</pallas_src>

<mosaic_0001>
#map = affine_map<(d0, d1) -> (0)>
#map1 = affine_map<(d0, d1) -> (0, 0)>
module attributes {stable_mosaic.version = 14 : i64} {
  func.func @k(%arg0: i32, %arg1: i32, %arg2: memref<32768xi32, #tpu.memory_space<hbm>>, %arg3: memref<4194304xi32, #tpu.memory_space<hbm>>, %arg4: memref<4194304xi32, #tpu.memory_space<hbm>>, %arg5: memref<4194304xf32, #tpu.memory_space<hbm>>, %arg6: memref<32x65536xf32, #tpu.memory_space<hbm>>, %arg7: memref<32768xi32, #tpu.memory_space<vmem>>, %arg8: memref<65536xf32, #tpu.memory_space<vmem>>, %arg9: memref<4096xi32, #tpu.memory_space<vmem>>, %arg10: memref<4096xi32, #tpu.memory_space<vmem>>, %arg11: memref<4096xf32, #tpu.memory_space<vmem>>, %arg12: memref<4096xi32, #tpu.memory_space<vmem>>, %arg13: memref<4096xi32, #tpu.memory_space<vmem>>, %arg14: memref<4096xf32, #tpu.memory_space<vmem>>, %arg15: memref<!tpu.dma_semaphore, #tpu.memory_space<semaphore_mem>>, %arg16: memref<!tpu.dma_semaphore, #tpu.memory_space<semaphore_mem>>) attributes {dimension_semantics = [#tpu.dimension_semantics<core_parallel>, #tpu.dimension_semantics<subcore_parallel>], iteration_bounds = array<i64: 2, 16>, scalar_prefetch = 0 : i64, scratch_operands = 10 : i64, tpu.core_type = #tpu.core_type<sc_vector_subcore>, window_params = [{transform_indices = #map}, {transform_indices = #map}, {transform_indices = #map}, {transform_indices = #map}, {transform_indices = #map1}]} {
    %mul3A = arith.constant 16 : i32
    %mul3A_0 = arith.muli %arg0, %mul3A : i32
    %add3A = arith.addi %mul3A_0, %arg1 : i32
    %mul3A_1 = arith.constant 16 : i32
    %mul3A_2 = arith.muli %arg0, %mul3A_1 : i32
    %add3A_3 = arith.addi %mul3A_2, %arg1 : i32
    %mul3A_4 = arith.constant 131072 : i32
    %mul3A_5 = arith.muli %add3A_3, %mul3A_4 : i32
    %dma_start3A = tpu.memref_slice %arg3[%mul3A_5] : memref<4194304xi32, #tpu.memory_space<hbm>> -> memref<4096xi32, #tpu.memory_space<hbm>>
    %dma_start3A_6 = tpu.memref_slice %arg3[%mul3A_5] : memref<4194304xi32, #tpu.memory_space<hbm>> -> memref<4096xi32, #tpu.memory_space<hbm>>
    tpu.enqueue_dma source(%dma_start3A_6 : memref<4096xi32, #tpu.memory_space<hbm>>) target(%arg9 : memref<4096xi32, #tpu.memory_space<vmem>>) target_semaphore(%arg15 : memref<!tpu.dma_semaphore, #tpu.memory_space<semaphore_mem>>)
    %dma_start3A_7 = tpu.memref_slice %arg4[%mul3A_5] : memref<4194304xi32, #tpu.memory_space<hbm>> -> memref<4096xi32, #tpu.memory_space<hbm>>
    %dma_start3A_8 = tpu.memref_slice %arg4[%mul3A_5] : memref<4194304xi32, #tpu.memory_space<hbm>> -> memref<4096xi32, #tpu.memory_space<hbm>>
    tpu.enqueue_dma source(%dma_start3A_8 : memref<4096xi32, #tpu.memory_space<hbm>>) target(%arg10 : memref<4096xi32, #tpu.memory_space<vmem>>) target_semaphore(%arg15 : memref<!tpu.dma_semaphore, #tpu.memory_space<semaphore_mem>>)
    %dma_start3A_9 = tpu.memref_slice %arg5[%mul3A_5] : memref<4194304xf32, #tpu.memory_space<hbm>> -> memref<4096xf32, #tpu.memory_space<hbm>>
    %dma_start3A_10 = tpu.memref_slice %arg5[%mul3A_5] : memref<4194304xf32, #tpu.memory_space<hbm>> -> memref<4096xf32, #tpu.memory_space<hbm>>
    tpu.enqueue_dma source(%dma_start3A_10 : memref<4096xf32, #tpu.memory_space<hbm>>) target(%arg11 : memref<4096xf32, #tpu.memory_space<vmem>>) target_semaphore(%arg15 : memref<!tpu.dma_semaphore, #tpu.memory_space<semaphore_mem>>)
    "tpu.region"() ({
      %run_scoped3A = tpu.sem_alloc : memref<!tpu.dma_semaphore, #tpu.memory_space<semaphore_mem>>
      tpu.enqueue_dma source(%arg2 : memref<32768xi32, #tpu.memory_space<hbm>>) target(%arg7 : memref<32768xi32, #tpu.memory_space<vmem>>) target_semaphore(%run_scoped3A : memref<!tpu.dma_semaphore, #tpu.memory_space<semaphore_mem>>)
      tpu.wait_dma2 semaphore(%run_scoped3A : memref<!tpu.dma_semaphore, #tpu.memory_space<semaphore_mem>>) src(%arg2 : memref<32768xi32, #tpu.memory_space<hbm>>) dst(%arg7 : memref<32768xi32, #tpu.memory_space<vmem>>)
      tpu.yield
    }) : () -> ()
    %broadcast_in_dim3A = arith.constant 0.000000e+00 : f32
    %broadcast_in_dim3A_11 = vector.broadcast %broadcast_in_dim3A : f32 to vector<16xf32>
    %scan3A = arith.constant 0 : i32
    %scan3A_12 = arith.constant 0 : i32
    %scan3A_13 = arith.constant 4096 : i32
    %scan3A_14 = arith.addi %scan3A_12, %scan3A_13 : i32
    %scan3A_15 = arith.constant 1 : i32
    scf.for %scan3A_39 = %scan3A_12 to %scan3A_14 step %scan3A_15  : i32 {
      %mul3A_40 = arith.constant 16 : i32
      %mul3A_41 = arith.muli %scan3A_39, %mul3A_40 : i32
      %swap3A = arith.index_cast %mul3A_41 : i32 to index
      %swap3A_42 = tpu.vector_load %arg8[%swap3A] {strides = array<i32>} : memref<65536xf32, #tpu.memory_space<vmem>>, vector<16xf32>,
      tpu.vector_store %arg8[%swap3A], %broadcast_in_dim3A_11 {strides = array<i32>} : memref<65536xf32, #tpu.memory_space<vmem>>, vector<16xf32>,
    }
    %scan3A_16 = arith.constant 4096 : i32
    %mul3A_17 = arith.constant 131072 : i32
    %mul3A_18 = arith.muli %add3A, %mul3A_17 : i32
    %add3A_19 = arith.constant 131072 : i32
    %add3A_20 = arith.addi %mul3A_18, %add3A_19 : i32
    %sub3A = arith.constant 4096 : i32
    %sub3A_21 = arith.subi %add3A_20, %sub3A : i32
    %scan3A_22 = arith.constant 0 : i32
    %scan3A_23 = arith.constant 0 : i32
    %scan3A_24 = arith.constant 16 : i32
    %scan3A_25 = arith.addi %scan3A_23, %scan3A_24 : i32
    %scan3A_26 = arith.constant 1 : i32
    scf.for %scan3A_39 = %scan3A_23 to %scan3A_25 step %scan3A_26  : i32 {
      %mul3A_40 = arith.constant 2 : i32
      %mul3A_41 = arith.muli %mul3A_40, %scan3A_39 : i32
      %add3A_42 = arith.constant 1 : i32
      %add3A_43 = arith.addi %mul3A_41, %add3A_42 : i32
      %mul3A_44 = arith.constant 4096 : i32
      %mul3A_45 = arith.muli %add3A_43, %mul3A_44 : i32
      %add3A_46 = arith.addi %mul3A_18, %mul3A_45 : i32
      %dma_start3A_47 = tpu.memref_slice %arg3[%add3A_46] : memref<4194304xi32, #tpu.memory_space<hbm>> -> memref<4096xi32, #tpu.memory_space<hbm>>
      %dma_start3A_48 = tpu.memref_slice %arg3[%add3A_46] : memref<4194304xi32, #tpu.memory_space<hbm>> -> memref<4096xi32, #tpu.memory_space<hbm>>
      tpu.enqueue_dma source(%dma_start3A_48 : memref<4096xi32, #tpu.memory_space<hbm>>) target(%arg12 : memref<4096xi32, #tpu.memory_space<vmem>>) target_semaphore(%arg16 : memref<!tpu.dma_semaphore, #tpu.memory_space<semaphore_mem>>)
      %dma_start3A_49 = tpu.memref_slice %arg4[%add3A_46] : memref<4194304xi32, #tpu.memory_space<hbm>> -> memref<4096xi32, #tpu.memory_space<hbm>>
      %dma_start3A_50 = tpu.memref_slice %arg4[%add3A_46] : memref<4194304xi32, #tpu.memory_space<hbm>> -> memref<4096xi32, #tpu.memory_space<hbm>>
      tpu.enqueue_dma source(%dma_start3A_50 : memref<4096xi32, #tpu.memory_space<hbm>>) target(%arg13 : memref<4096xi32, #tpu.memory_space<vmem>>) target_semaphore(%arg16 : memref<!tpu.dma_semaphore, #tpu.memory_space<semaphore_mem>>)
      %dma_start3A_51 = tpu.memref_slice %arg5[%add3A_46] : memref<4194304xf32, #tpu.memory_space<hbm>> -> memref<4096xf32, #tpu.memory_space<hbm>>
      %dma_start3A_52 = tpu.memref_slice %arg5[%add3A_46] : memref<4194304xf32, #tpu.memory_space<hbm>> -> memref<4096xf32, #tpu.memory_space<hbm>>
      tpu.enqueue_dma source(%dma_start3A_52 : memref<4096xf32, #tpu.memory_space<hbm>>) target(%arg14 : memref<4096xf32, #tpu.memory_space<vmem>>) target_semaphore(%arg16 : memref<!tpu.dma_semaphore, #tpu.memory_space<semaphore_mem>>)
      %dma_wait3A_53 = arith.constant 0 : i32
      %dma_wait3A_54 = tpu.memref_slice %arg3[%dma_wait3A_53] : memref<4194304xi32, #tpu.memory_space<hbm>> -> memref<4096xi32, #tpu.memory_space<hbm>>
      %dma_wait3A_55 = arith.constant 0 : i32
      %dma_wait3A_56 = tpu.memref_slice %arg3[%dma_wait3A_55] : memref<4194304xi32, #tpu.memory_space<hbm>> -> memref<4096xi32, #tpu.memory_space<hbm>>
      tpu.wait_dma2 semaphore(%arg15 : memref<!tpu.dma_semaphore, #tpu.memory_space<semaphore_mem>>) src(%dma_wait3A_56 : memref<4096xi32, #tpu.memory_space<hbm>>) dst(%arg9 : memref<4096xi32, #tpu.memory_space<vmem>>)
      %dma_wait3A_57 = arith.constant 0 : i32
      %dma_wait3A_58 = tpu.memref_slice %arg4[%dma_wait3A_57] : memref<4194304xi32, #tpu.memory_space<hbm>> -> memref<4096xi32, #tpu.memory_space<hbm>>
      %dma_wait3A_59 = arith.constant 0 : i32
      %dma_wait3A_60 = tpu.memref_slice %arg4[%dma_wait3A_59] : memref<4194304xi32, #tpu.memory_space<hbm>> -> memref<4096xi32, #tpu.memory_space<hbm>>
      tpu.wait_dma2 semaphore(%arg15 : memref<!tpu.dma_semaphore, #tpu.memory_space<semaphore_mem>>) src(%dma_wait3A_60 : memref<4096xi32, #tpu.memory_space<hbm>>) dst(%arg10 : memref<4096xi32, #tpu.memory_space<vmem>>)
      %dma_wait3A_61 = arith.constant 0 : i32
      %dma_wait3A_62 = tpu.memref_slice %arg5[%dma_wait3A_61] : memref<4194304xf32, #tpu.memory_space<hbm>> -> memref<4096xf32, #tpu.memory_space<hbm>>
      %dma_wait3A_63 = arith.constant 0 : i32
      %dma_wait3A_64 = tpu.memref_slice %arg5[%dma_wait3A_63] : memref<4194304xf32, #tpu.memory_space<hbm>> -> memref<4096xf32, #tpu.memory_space<hbm>>
      tpu.wait_dma2 semaphore(%arg15 : memref<!tpu.dma_semaphore, #tpu.memory_space<semaphore_mem>>) src(%dma_wait3A_64 : memref<4096xf32, #tpu.memory_space<hbm>>) dst(%arg11 : memref<4096xf32, #tpu.memory_space<vmem>>)
      %scan3A_65 = arith.constant 0 : i32
      %scan3A_66 = arith.constant 0 : i32
      %scan3A_67 = arith.constant 32 : i32
      %scan3A_68 = arith.addi %scan3A_66, %scan3A_67 : i32
      %scan3A_69 = arith.constant 1 : i32
      scf.for %scan3A_102 = %scan3A_66 to %scan3A_68 step %scan3A_69  : i32 {
        %mul3A_103 = arith.constant 128 : i32
        %mul3A_104 = arith.muli %scan3A_102, %mul3A_103 : i32
        %add3A_105 = arith.constant 0 : i32
        %add3A_106 = arith.addi %mul3A_104, %add3A_105 : i32
        %get3A = arith.index_cast %add3A_106 : i32 to index
        %get3A_107 = tpu.vector_load %arg9[%get3A] {strides = array<i32>} : memref<4096xi32, #tpu.memory_space<vmem>>, vector<16xi32>,
        %get3A_108 = arith.index_cast %add3A_106 : i32 to index
        %get3A_109 = tpu.vector_load %arg10[%get3A_108] {strides = array<i32>} : memref<4096xi32, #tpu.memory_space<vmem>>, vector<16xi32>,
        %get3A_110 = arith.index_cast %add3A_106 : i32 to index
        %get3A_111 = tpu.vector_load %arg11[%get3A_110] {strides = array<i32>} : memref<4096xf32, #tpu.memory_space<vmem>>, vector<16xf32>,
        %shift_right_logical3A = arith.constant 1 : i32
        %shift_right_logical3A_112 = vector.broadcast %shift_right_logical3A : i32 to vector<16xi32>
        %shift_right_logical3A_113 = arith.shrui %get3A_109, %shift_right_logical3A_112 : vector<16xi32>
        %gather3A = tpu.vector_load_idx %arg7[%shift_right_logical3A_113] : memref<32768xi32, #tpu.memory_space<vmem>>[vector<16xi32>], vector<16xi32>,
        %and3A = arith.constant 1 : i32
        %and3A_114 = vector.broadcast %and3A : i32 to vector<16xi32>
        %and3A_115 = arith.andi %get3A_109, %and3A_114 : vector<16xi32>
        %shift_left3A = arith.constant 4 : i32
        %shift_left3A_116 = vector.broadcast %shift_left3A : i32 to vector<16xi32>
        %shift_left3A_117 = arith.shli %and3A_115, %shift_left3A_116 : vector<16xi32>
        %shift_right_logical3A_118 = arith.shrui %gather3A, %shift_left3A_117 : vector<16xi32>
        %shift_left3A_119 = arith.constant 16 : i32
        %shift_left3A_120 = vector.broadcast %shift_left3A_119 : i32 to vector<16xi32>
        %shift_left3A_121 = arith.shli %shift_right_logical3A_118, %shift_left3A_120 : vector<16xi32>
        %bitcast3A = vector.bitcast %shift_left3A_121 : vector<16xi32> to vector<16xf32>
        %mul3A_122 = arith.mulf %get3A_111, %bitcast3A : vector<16xf32>
        tpu.vector_store_idx %arg8[%get3A_107], %mul3A_122 {add = true} : memref<65536xf32, #tpu.memory_space<vmem>>[vector<16xi32>], vector<16xf32>,
        %mul3A_123 = arith.constant 128 : i32
        %mul3A_124 = arith.muli %scan3A_102, %mul3A_123 : i32
        %add3A_125 = arith.constant 16 : i32
        %add3A_126 = arith.addi %mul3A_124, %add3A_125 : i32
        %get3A_127 = arith.index_cast %add3A_126 : i32 to index
        %get3A_128 = tpu.vector_load %arg9[%get3A_127] {strides = array<i32>} : memref<4096xi32, #tpu.memory_space<vmem>>, vector<16xi32>,
        %get3A_129 = arith.index_cast %add3A_126 : i32 to index
        %get3A_130 = tpu.vector_load %arg10[%get3A_129] {strides = array<i32>} : memref<4096xi32, #tpu.memory_space<vmem>>, vector<16xi32>,
        %get3A_131 = arith.index_cast %add3A_126 : i32 to index
        %get3A_132 = tpu.vector_load %arg11[%get3A_131] {strides = array<i32>} : memref<4096xf32, #tpu.memory_space<vmem>>, vector<16xf32>,
        %shift_right_logical3A_133 = arith.constant 1 : i32
        %shift_right_logical3A_134 = vector.broadcast %shift_right_logical3A_133 : i32 to vector<16xi32>
        %shift_right_logical3A_135 = arith.shrui %get3A_130, %shift_right_logical3A_134 : vector<16xi32>
        %gather3A_136 = tpu.vector_load_idx %arg7[%shift_right_logical3A_135] : memref<32768xi32, #tpu.memory_space<vmem>>[vector<16xi32>], vector<16xi32>,
        %and3A_137 = arith.constant 1 : i32
        %and3A_138 = vector.broadcast %and3A_137 : i32 to vector<16xi32>
        %and3A_139 = arith.andi %get3A_130, %and3A_138 : vector<16xi32>
        %shift_left3A_140 = arith.constant 4 : i32
        %shift_left3A_141 = vector.broadcast %shift_left3A_140 : i32 to vector<16xi32>
        %shift_left3A_142 = arith.shli %and3A_139, %shift_left3A_141 : vector<16xi32>
        %shift_right_logical3A_143 = arith.shrui %gather3A_136, %shift_left3A_142 : vector<16xi32>
        %shift_left3A_144 = arith.constant 16 : i32
        %shift_left3A_145 = vector.broadcast %shift_left3A_144 : i32 to vector<16xi32>
        %shift_left3A_146 = arith.shli %shift_right_logical3A_143, %shift_left3A_145 : vector<16xi32>
        %bitcast3A_147 = vector.bitcast %shift_left3A_146 : vector<16xi32> to vector<16xf32>
        %mul3A_148 = arith.mulf %get3A_132, %bitcast3A_147 : vector<16xf32>
        tpu.vector_store_idx %arg8[%get3A_128], %mul3A_148 {add = true} : memref<65536xf32, #tpu.memory_space<vmem>>[vector<16xi32>], vector<16xf32>,
        %mul3A_149 = arith.constant 128 : i32
        %mul3A_150 = arith.muli %scan3A_102, %mul3A_149 : i32
        %add3A_151 = arith.constant 32 : i32
        %add3A_152 = arith.addi %mul3A_150, %add3A_151 : i32
        %get3A_153 = arith.index_cast %add3A_152 : i32 to index
        %get3A_154 = tpu.vector_load %arg9[%get3A_153] {strides = array<i32>} : memref<4096xi32, #tpu.memory_space<vmem>>, vector<16xi32>,
        %get3A_155 = arith.index_cast %add3A_152 : i32 to index
        %get3A_156 = tpu.vector_load %arg10[%get3A_155] {strides = array<i32>} : memref<4096xi32, #tpu.memory_space<vmem>>, vector<16xi32>,
        %get3A_157 = arith.index_cast %add3A_152 : i32 to index
        %get3A_158 = tpu.vector_load %arg11[%get3A_157] {strides = array<i32>} : memref<4096xf32, #tpu.memory_space<vmem>>, vector<16xf32>,
        %shift_right_logical3A_159 = arith.constant 1 : i32
        %shift_right_logical3A_160 = vector.broadcast %shift_right_logical3A_159 : i32 to vector<16xi32>
        %shift_right_logical3A_161 = arith.shrui %get3A_156, %shift_right_logical3A_160 : vector<16xi32>
        %gather3A_162 = tpu.vector_load_idx %arg7[%shift_right_logical3A_161] : memref<32768xi32, #tpu.memory_space<vmem>>[vector<16xi32>], vector<16xi32>,
        %and3A_163 = arith.constant 1 : i32
        %and3A_164 = vector.broadcast %and3A_163 : i32 to vector<16xi32>
        %and3A_165 = arith.andi %get3A_156, %and3A_164 : vector<16xi32>
        %shift_left3A_166 = arith.constant 4 : i32
        %shift_left3A_167 = vector.broadcast %shift_left3A_166 : i32 to vector<16xi32>
        %shift_left3A_168 = arith.shli %and3A_165, %shift_left3A_167 : vector<16xi32>
        %shift_right_logical3A_169 = arith.shrui %gather3A_162, %shift_left3A_168 : vector<16xi32>
        %shift_left3A_170 = arith.constant 16 : i32
        %shift_left3A_171 = vector.broadcast %shift_left3A_170 : i32 to vector<16xi32>
        %shift_left3A_172 = arith.shli %shift_right_logical3A_169, %shift_left3A_171 : vector<16xi32>
        %bitcast3A_173 = vector.bitcast %shift_left3A_172 : vector<16xi32> to vector<16xf32>
        %mul3A_174 = arith.mulf %get3A_158, %bitcast3A_173 : vector<16xf32>
        tpu.vector_store_idx %arg8[%get3A_154], %mul3A_174 {add = true} : memref<65536xf32, #tpu.memory_space<vmem>>[vector<16xi32>], vector<16xf32>,
        %mul3A_175 = arith.constant 128 : i32
        %mul3A_176 = arith.muli %scan3A_102, %mul3A_175 : i32
        %add3A_177 = arith.constant 48 : i32
        %add3A_178 = arith.addi %mul3A_176, %add3A_177 : i32
        %get3A_179 = arith.index_cast %add3A_178 : i32 to index
        %get3A_180 = tpu.vector_load %arg9[%get3A_179] {strides = array<i32>} : memref<4096xi32, #tpu.memory_space<vmem>>, vector<16xi32>,
        %get3A_181 = arith.index_cast %add3A_178 : i32 to index
        %get3A_182 = tpu.vector_load %arg10[%get3A_181] {strides = array<i32>} : memref<4096xi32, #tpu.memory_space<vmem>>, vector<16xi32>,
        %get3A_183 = arith.index_cast %add3A_178 : i32 to index
        %get3A_184 = tpu.vector_load %arg11[%get3A_183] {strides = array<i32>} : memref<4096xf32, #tpu.memory_space<vmem>>, vector<16xf32>,
        %shift_right_logical3A_185 = arith.constant 1 : i32
        %shift_right_logical3A_186 = vector.broadcast %shift_right_logical3A_185 : i32 to vector<16xi32>
        %shift_right_logical3A_187 = arith.shrui %get3A_182, %shift_right_logical3A_186 : vector<16xi32>
        %gather3A_188 = tpu.vector_load_idx %arg7[%shift_right_logical3A_187] : memref<32768xi32, #tpu.memory_space<vmem>>[vector<16xi32>], vector<16xi32>,
        %and3A_189 = arith.constant 1 : i32
        %and3A_190 = vector.broadcast %and3A_189 : i32 to vector<16xi32>
        %and3A_191 = arith.andi %get3A_182, %and3A_190 : vector<16xi32>
        %shift_left3A_192 = arith.constant 4 : i32
        %shift_left3A_193 = vector.broadcast %shift_left3A_192 : i32 to vector<16xi32>
        %shift_left3A_194 = arith.shli %and3A_191, %shift_left3A_193 : vector<16xi32>
        %shift_right_logical3A_195 = arith.shrui %gather3A_188, %shift_left3A_194 : vector<16xi32>
        %shift_left3A_196 = arith.constant 16 : i32
        %shift_left3A_197 = vector.broadcast %shift_left3A_196 : i32 to vector<16xi32>
        %shift_left3A_198 = arith.shli %shift_right_logical3A_195, %shift_left3A_197 : vector<16xi32>
        %bitcast3A_199 = vector.bitcast %shift_left3A_198 : vector<16xi32> to vector<16xf32>
        %mul3A_200 = arith.mulf %get3A_184, %bitcast3A_199 : vector<16xf32>
        tpu.vector_store_idx %arg8[%get3A_180], %mul3A_200 {add = true} : memref<65536xf32, #tpu.memory_space<vmem>>[vector<16xi32>], vector<16xf32>,
        %mul3A_201 = arith.constant 128 : i32
        %mul3A_202 = arith.muli %scan3A_102, %mul3A_201 : i32
        %add3A_203 = arith.constant 64 : i32
        %add3A_204 = arith.addi %mul3A_202, %add3A_203 : i32
        %get3A_205 = arith.index_cast %add3A_204 : i32 to index
        %get3A_206 = tpu.vector_load %arg9[%get3A_205] {strides = array<i32>} : memref<4096xi32, #tpu.memory_space<vmem>>, vector<16xi32>,
        %get3A_207 = arith.index_cast %add3A_204 : i32 to index
        %get3A_208 = tpu.vector_load %arg10[%get3A_207] {strides = array<i32>} : memref<4096xi32, #tpu.memory_space<vmem>>, vector<16xi32>,
        %get3A_209 = arith.index_cast %add3A_204 : i32 to index
        %get3A_210 = tpu.vector_load %arg11[%get3A_209] {strides = array<i32>} : memref<4096xf32, #tpu.memory_space<vmem>>, vector<16xf32>,
        %shift_right_logical3A_211 = arith.constant 1 : i32
        %shift_right_logical3A_212 = vector.broadcast %shift_right_logical3A_211 : i32 to vector<16xi32>
        %shift_right_logical3A_213 = arith.shrui %get3A_208, %shift_right_logical3A_212 : vector<16xi32>
        %gather3A_214 = tpu.vector_load_idx %arg7[%shift_right_logical3A_213] : memref<32768xi32, #tpu.memory_space<vmem>>[vector<16xi32>], vector<16xi32>,
        %and3A_215 = arith.constant 1 : i32
        %and3A_216 = vector.broadcast %and3A_215 : i32 to vector<16xi32>
        %and3A_217 = arith.andi %get3A_208, %and3A_216 : vector<16xi32>
        %shift_left3A_218 = arith.constant 4 : i32
        %shift_left3A_219 = vector.broadcast %shift_left3A_218 : i32 to vector<16xi32>
        %shift_left3A_220 = arith.shli %and3A_217, %shift_left3A_219 : vector<16xi32>
        %shift_right_logical3A_221 = arith.shrui %gather3A_214, %shift_left3A_220 : vector<16xi32>
        %shift_left3A_222 = arith.constant 16 : i32
        %shift_left3A_223 = vector.broadcast %shift_left3A_222 : i32 to vector<16xi32>
        %shift_left3A_224 = arith.shli %shift_right_logical3A_221, %shift_left3A_223 : vector<16xi32>
        %bitcast3A_225 = vector.bitcast %shift_left3A_224 : vector<16xi32> to vector<16xf32>
        %mul3A_226 = arith.mulf %get3A_210, %bitcast3A_225 : vector<16xf32>
        tpu.vector_store_idx %arg8[%get3A_206], %mul3A_226 {add = true} : memref<65536xf32, #tpu.memory_space<vmem>>[vector<16xi32>], vector<16xf32>,
        %mul3A_227 = arith.constant 128 : i32
        %mul3A_228 = arith.muli %scan3A_102, %mul3A_227 : i32
        %add3A_229 = arith.constant 80 : i32
        %add3A_230 = arith.addi %mul3A_228, %add3A_229 : i32
        %get3A_231 = arith.index_cast %add3A_230 : i32 to index
        %get3A_232 = tpu.vector_load %arg9[%get3A_231] {strides = array<i32>} : memref<4096xi32, #tpu.memory_space<vmem>>, vector<16xi32>,
        %get3A_233 = arith.index_cast %add3A_230 : i32 to index
        %get3A_234 = tpu.vector_load %arg10[%get3A_233] {strides = array<i32>} : memref<4096xi32, #tpu.memory_space<vmem>>, vector<16xi32>,
        %get3A_235 = arith.index_cast %add3A_230 : i32 to index
        %get3A_236 = tpu.vector_load %arg11[%get3A_235] {strides = array<i32>} : memref<4096xf32, #tpu.memory_space<vmem>>, vector<16xf32>,
        %shift_right_logical3A_237 = arith.constant 1 : i32
        %shift_right_logical3A_238 = vector.broadcast %shift_right_logical3A_237 : i32 to vector<16xi32>
        %shift_right_logical3A_239 = arith.shrui %get3A_234, %shift_right_logical3A_238 : vector<16xi32>
        %gather3A_240 = tpu.vector_load_idx %arg7[%shift_right_logical3A_239] : memref<32768xi32, #tpu.memory_space<vmem>>[vector<16xi32>], vector<16xi32>,
        %and3A_241 = arith.constant 1 : i32
        %and3A_242 = vector.broadcast %and3A_241 : i32 to vector<16xi32>
        %and3A_243 = arith.andi %get3A_234, %and3A_242 : vector<16xi32>
        %shift_left3A_244 = arith.constant 4 : i32
        %shift_left3A_245 = vector.broadcast %shift_left3A_244 : i32 to vector<16xi32>
        %shift_left3A_246 = arith.shli %and3A_243, %shift_left3A_245 : vector<16xi32>
        %shift_right_logical3A_247 = arith.shrui %gather3A_240, %shift_left3A_246 : vector<16xi32>
        %shift_left3A_248 = arith.constant 16 : i32
        %shift_left3A_249 = vector.broadcast %shift_left3A_248 : i32 to vector<16xi32>
        %shift_left3A_250 = arith.shli %shift_right_logical3A_247, %shift_left3A_249 : vector<16xi32>
        %bitcast3A_251 = vector.bitcast %shift_left3A_250 : vector<16xi32> to vector<16xf32>
        %mul3A_252 = arith.mulf %get3A_236, %bitcast3A_251 : vector<16xf32>
        tpu.vector_store_idx %arg8[%get3A_232], %mul3A_252 {add = true} : memref<65536xf32, #tpu.memory_space<vmem>>[vector<16xi32>], vector<16xf32>,
        %mul3A_253 = arith.constant 128 : i32
        %mul3A_254 = arith.muli %scan3A_102, %mul3A_253 : i32
        %add3A_255 = arith.constant 96 : i32
        %add3A_256 = arith.addi %mul3A_254, %add3A_255 : i32
        %get3A_257 = arith.index_cast %add3A_256 : i32 to index
        %get3A_258 = tpu.vector_load %arg9[%get3A_257] {strides = array<i32>} : memref<4096xi32, #tpu.memory_space<vmem>>, vector<16xi32>,
        %get3A_259 = arith.index_cast %add3A_256 : i32 to index
        %get3A_260 = tpu.vector_load %arg10[%get3A_259] {strides = array<i32>} : memref<4096xi32, #tpu.memory_space<vmem>>, vector<16xi32>,
        %get3A_261 = arith.index_cast %add3A_256 : i32 to index
        %get3A_262 = tpu.vector_load %arg11[%get3A_261] {strides = array<i32>} : memref<4096xf32, #tpu.memory_space<vmem>>, vector<16xf32>,
        %shift_right_logical3A_263 = arith.constant 1 : i32
        %shift_right_logical3A_264 = vector.broadcast %shift_right_logical3A_263 : i32 to vector<16xi32>
        %shift_right_logical3A_265 = arith.shrui %get3A_260, %shift_right_logical3A_264 : vector<16xi32>
        %gather3A_266 = tpu.vector_load_idx %arg7[%shift_right_logical3A_265] : memref<32768xi32, #tpu.memory_space<vmem>>[vector<16xi32>], vector<16xi32>,
        %and3A_267 = arith.constant 1 : i32
        %and3A_268 = vector.broadcast %and3A_267 : i32 to vector<16xi32>
        %and3A_269 = arith.andi %get3A_260, %and3A_268 : vector<16xi32>
        %shift_left3A_270 = arith.constant 4 : i32
        %shift_left3A_271 = vector.broadcast %shift_left3A_270 : i32 to vector<16xi32>
        %shift_left3A_272 = arith.shli %and3A_269, %shift_left3A_271 : vector<16xi32>
        %shift_right_logical3A_273 = arith.shrui %gather3A_266, %shift_left3A_272 : vector<16xi32>
        %shift_left3A_274 = arith.constant 16 : i32
        %shift_left3A_275 = vector.broadcast %shift_left3A_274 : i32 to vector<16xi32>
        %shift_left3A_276 = arith.shli %shift_right_logical3A_273, %shift_left3A_275 : vector<16xi32>
        %bitcast3A_277 = vector.bitcast %shift_left3A_276 : vector<16xi32> to vector<16xf32>
        %mul3A_278 = arith.mulf %get3A_262, %bitcast3A_277 : vector<16xf32>
        tpu.vector_store_idx %arg8[%get3A_258], %mul3A_278 {add = true} : memref<65536xf32, #tpu.memory_space<vmem>>[vector<16xi32>], vector<16xf32>,
        %mul3A_279 = arith.constant 128 : i32
        %mul3A_280 = arith.muli %scan3A_102, %mul3A_279 : i32
        %add3A_281 = arith.constant 112 : i32
        %add3A_282 = arith.addi %mul3A_280, %add3A_281 : i32
        %get3A_283 = arith.index_cast %add3A_282 : i32 to index
        %get3A_284 = tpu.vector_load %arg9[%get3A_283] {strides = array<i32>} : memref<4096xi32, #tpu.memory_space<vmem>>, vector<16xi32>,
        %get3A_285 = arith.index_cast %add3A_282 : i32 to index
        %get3A_286 = tpu.vector_load %arg10[%get3A_285] {strides = array<i32>} : memref<4096xi32, #tpu.memory_space<vmem>>, vector<16xi32>,
        %get3A_287 = arith.index_cast %add3A_282 : i32 to index
        %get3A_288 = tpu.vector_load %arg11[%get3A_287] {strides = array<i32>} : memref<4096xf32, #tpu.memory_space<vmem>>, vector<16xf32>,
        %shift_right_logical3A_289 = arith.constant 1 : i32
        %shift_right_logical3A_290 = vector.broadcast %shift_right_logical3A_289 : i32 to vector<16xi32>
        %shift_right_logical3A_291 = arith.shrui %get3A_286, %shift_right_logical3A_290 : vector<16xi32>
        %gather3A_292 = tpu.vector_load_idx %arg7[%shift_right_logical3A_291] : memref<32768xi32, #tpu.memory_space<vmem>>[vector<16xi32>], vector<16xi32>,
        %and3A_293 = arith.constant 1 : i32
        %and3A_294 = vector.broadcast %and3A_293 : i32 to vector<16xi32>
        %and3A_295 = arith.andi %get3A_286, %and3A_294 : vector<16xi32>
        %shift_left3A_296 = arith.constant 4 : i32
        %shift_left3A_297 = vector.broadcast %shift_left3A_296 : i32 to vector<16xi32>
        %shift_left3A_298 = arith.shli %and3A_295, %shift_left3A_297 : vector<16xi32>
        %shift_right_logical3A_299 = arith.shrui %gather3A_292, %shift_left3A_298 : vector<16xi32>
        %shift_left3A_300 = arith.constant 16 : i32
        %shift_left3A_301 = vector.broadcast %shift_left3A_300 : i32 to vector<16xi32>
        %shift_left3A_302 = arith.shli %shift_right_logical3A_299, %shift_left3A_301 : vector<16xi32>
        %bitcast3A_303 = vector.bitcast %shift_left3A_302 : vector<16xi32> to vector<16xf32>
        %mul3A_304 = arith.mulf %get3A_288, %bitcast3A_303 : vector<16xf32>
        tpu.vector_store_idx %arg8[%get3A_284], %mul3A_304 {add = true} : memref<65536xf32, #tpu.memory_space<vmem>>[vector<16xi32>], vector<16xf32>,
      }
      %scan3A_70 = arith.constant 32 : i32
      %mul3A_71 = arith.constant 2 : i32
      %mul3A_72 = arith.muli %mul3A_71, %scan3A_39 : i32
      %add3A_73 = arith.constant 2 : i32
      %add3A_74 = arith.addi %mul3A_72, %add3A_73 : i32
      %mul3A_75 = arith.constant 4096 : i32
      %mul3A_76 = arith.muli %add3A_74, %mul3A_75 : i32
      %add3A_77 = arith.addi %mul3A_18, %mul3A_76 : i32
      %min3A = arith.minsi %add3A_77, %sub3A_21 : i32
      %dma_start3A_78 = tpu.memref_slice %arg3[%min3A] : memref<4194304xi32, #tpu.memory_space<hbm>> -> memref<4096xi32, #tpu.memory_space<hbm>>
      %dma_start3A_79 = tpu.memref_slice %arg3[%min3A] : memref<4194304xi32, #tpu.memory_space<hbm>> -> memref<4096xi32, #tpu.memory_space<hbm>>
      tpu.enqueue_dma source(%dma_start3A_79 : memref<4096xi32, #tpu.memory_space<hbm>>) target(%arg9 : memref<4096xi32, #tpu.memory_space<vmem>>) target_semaphore(%arg15 : memref<!tpu.dma_semaphore, #tpu.memory_space<semaphore_mem>>)
      %dma_start3A_80 = tpu.memref_slice %arg4[%min3A] : memref<4194304xi32, #tpu.memory_space<hbm>> -> memref<4096xi32, #tpu.memory_space<hbm>>
      %dma_start3A_81 = tpu.memref_slice %arg4[%min3A] : memref<4194304xi32, #tpu.memory_space<hbm>> -> memref<4096xi32, #tpu.memory_space<hbm>>
      tpu.enqueue_dma source(%dma_start3A_81 : memref<4096xi32, #tpu.memory_space<hbm>>) target(%arg10 : memref<4096xi32, #tpu.memory_space<vmem>>) target_semaphore(%arg15 : memref<!tpu.dma_semaphore, #tpu.memory_space<semaphore_mem>>)
      %dma_start3A_82 = tpu.memref_slice %arg5[%min3A] : memref<4194304xf32, #tpu.memory_space<hbm>> -> memref<4096xf32, #tpu.memory_space<hbm>>
      %dma_start3A_83 = tpu.memref_slice %arg5[%min3A] : memref<4194304xf32, #tpu.memory_space<hbm>> -> memref<4096xf32, #tpu.memory_space<hbm>>
      tpu.enqueue_dma source(%dma_start3A_83 : memref<4096xf32, #tpu.memory_space<hbm>>) target(%arg11 : memref<4096xf32, #tpu.memory_space<vmem>>) target_semaphore(%arg15 : memref<!tpu.dma_semaphore, #tpu.memory_space<semaphore_mem>>)
      %dma_wait3A_84 = arith.constant 0 : i32
      %dma_wait3A_85 = tpu.memref_slice %arg3[%dma_wait3A_84] : memref<4194304xi32, #tpu.memory_space<hbm>> -> memref<4096xi32, #tpu.memory_space<hbm>>
      %dma_wait3A_86 = arith.constant 0 : i32
      %dma_wait3A_87 = tpu.memref_slice %arg3[%dma_wait3A_86] : memref<4194304xi32, #tpu.memory_space<hbm>> -> memref<4096xi32, #tpu.memory_space<hbm>>
      tpu.wait_dma2 semaphore(%arg16 : memref<!tpu.dma_semaphore, #tpu.memory_space<semaphore_mem>>) src(%dma_wait3A_87 : memref<4096xi32, #tpu.memory_space<hbm>>) dst(%arg12 : memref<4096xi32, #tpu.memory_space<vmem>>)
      %dma_wait3A_88 = arith.constant 0 : i32
      %dma_wait3A_89 = tpu.memref_slice %arg4[%dma_wait3A_88] : memref<4194304xi32, #tpu.memory_space<hbm>> -> memref<4096xi32, #tpu.memory_space<hbm>>
      %dma_wait3A_90 = arith.constant 0 : i32
      %dma_wait3A_91 = tpu.memref_slice %arg4[%dma_wait3A_90] : memref<4194304xi32, #tpu.memory_space<hbm>> -> memref<4096xi32, #tpu.memory_space<hbm>>
      tpu.wait_dma2 semaphore(%arg16 : memref<!tpu.dma_semaphore, #tpu.memory_space<semaphore_mem>>) src(%dma_wait3A_91 : memref<4096xi32, #tpu.memory_space<hbm>>) dst(%arg13 : memref<4096xi32, #tpu.memory_space<vmem>>)
      %dma_wait3A_92 = arith.constant 0 : i32
      %dma_wait3A_93 = tpu.memref_slice %arg5[%dma_wait3A_92] : memref<4194304xf32, #tpu.memory_space<hbm>> -> memref<4096xf32, #tpu.memory_space<hbm>>
      %dma_wait3A_94 = arith.constant 0 : i32
      %dma_wait3A_95 = tpu.memref_slice %arg5[%dma_wait3A_94] : memref<4194304xf32, #tpu.memory_space<hbm>> -> memref<4096xf32, #tpu.memory_space<hbm>>
      tpu.wait_dma2 semaphore(%arg16 : memref<!tpu.dma_semaphore, #tpu.memory_space<semaphore_mem>>) src(%dma_wait3A_95 : memref<4096xf32, #tpu.memory_space<hbm>>) dst(%arg14 : memref<4096xf32, #tpu.memory_space<vmem>>)
      %scan3A_96 = arith.constant 0 : i32
      %scan3A_97 = arith.constant 0 : i32
      %scan3A_98 = arith.constant 32 : i32
      %scan3A_99 = arith.addi %scan3A_97, %scan3A_98 : i32
      %scan3A_100 = arith.constant 1 : i32
      scf.for %scan3A_102 = %scan3A_97 to %scan3A_99 step %scan3A_100  : i32 {
        %mul3A_103 = arith.constant 128 : i32
        %mul3A_104 = arith.muli %scan3A_102, %mul3A_103 : i32
        %add3A_105 = arith.constant 0 : i32
        %add3A_106 = arith.addi %mul3A_104, %add3A_105 : i32
        %get3A = arith.index_cast %add3A_106 : i32 to index
        %get3A_107 = tpu.vector_load %arg12[%get3A] {strides = array<i32>} : memref<4096xi32, #tpu.memory_space<vmem>>, vector<16xi32>,
        %get3A_108 = arith.index_cast %add3A_106 : i32 to index
        %get3A_109 = tpu.vector_load %arg13[%get3A_108] {strides = array<i32>} : memref<4096xi32, #tpu.memory_space<vmem>>, vector<16xi32>,
        %get3A_110 = arith.index_cast %add3A_106 : i32 to index
        %get3A_111 = tpu.vector_load %arg14[%get3A_110] {strides = array<i32>} : memref<4096xf32, #tpu.memory_space<vmem>>, vector<16xf32>,
        %shift_right_logical3A = arith.constant 1 : i32
        %shift_right_logical3A_112 = vector.broadcast %shift_right_logical3A : i32 to vector<16xi32>
        %shift_right_logical3A_113 = arith.shrui %get3A_109, %shift_right_logical3A_112 : vector<16xi32>
        %gather3A = tpu.vector_load_idx %arg7[%shift_right_logical3A_113] : memref<32768xi32, #tpu.memory_space<vmem>>[vector<16xi32>], vector<16xi32>,
        %and3A = arith.constant 1 : i32
        %and3A_114 = vector.broadcast %and3A : i32 to vector<16xi32>
        %and3A_115 = arith.andi %get3A_109, %and3A_114 : vector<16xi32>
        %shift_left3A = arith.constant 4 : i32
        %shift_left3A_116 = vector.broadcast %shift_left3A : i32 to vector<16xi32>
        %shift_left3A_117 = arith.shli %and3A_115, %shift_left3A_116 : vector<16xi32>
        %shift_right_logical3A_118 = arith.shrui %gather3A, %shift_left3A_117 : vector<16xi32>
        %shift_left3A_119 = arith.constant 16 : i32
        %shift_left3A_120 = vector.broadcast %shift_left3A_119 : i32 to vector<16xi32>
        %shift_left3A_121 = arith.shli %shift_right_logical3A_118, %shift_left3A_120 : vector<16xi32>
        %bitcast3A = vector.bitcast %shift_left3A_121 : vector<16xi32> to vector<16xf32>
        %mul3A_122 = arith.mulf %get3A_111, %bitcast3A : vector<16xf32>
        tpu.vector_store_idx %arg8[%get3A_107], %mul3A_122 {add = true} : memref<65536xf32, #tpu.memory_space<vmem>>[vector<16xi32>], vector<16xf32>,
        %mul3A_123 = arith.constant 128 : i32
        %mul3A_124 = arith.muli %scan3A_102, %mul3A_123 : i32
        %add3A_125 = arith.constant 16 : i32
        %add3A_126 = arith.addi %mul3A_124, %add3A_125 : i32
        %get3A_127 = arith.index_cast %add3A_126 : i32 to index
        %get3A_128 = tpu.vector_load %arg12[%get3A_127] {strides = array<i32>} : memref<4096xi32, #tpu.memory_space<vmem>>, vector<16xi32>,
        %get3A_129 = arith.index_cast %add3A_126 : i32 to index
        %get3A_130 = tpu.vector_load %arg13[%get3A_129] {strides = array<i32>} : memref<4096xi32, #tpu.memory_space<vmem>>, vector<16xi32>,
        %get3A_131 = arith.index_cast %add3A_126 : i32 to index
        %get3A_132 = tpu.vector_load %arg14[%get3A_131] {strides = array<i32>} : memref<4096xf32, #tpu.memory_space<vmem>>, vector<16xf32>,
        %shift_right_logical3A_133 = arith.constant 1 : i32
        %shift_right_logical3A_134 = vector.broadcast %shift_right_logical3A_133 : i32 to vector<16xi32>
        %shift_right_logical3A_135 = arith.shrui %get3A_130, %shift_right_logical3A_134 : vector<16xi32>
        %gather3A_136 = tpu.vector_load_idx %arg7[%shift_right_logical3A_135] : memref<32768xi32, #tpu.memory_space<vmem>>[vector<16xi32>], vector<16xi32>,
        %and3A_137 = arith.constant 1 : i32
        %and3A_138 = vector.broadcast %and3A_137 : i32 to vector<16xi32>
        %and3A_139 = arith.andi %get3A_130, %and3A_138 : vector<16xi32>
        %shift_left3A_140 = arith.constant 4 : i32
        %shift_left3A_141 = vector.broadcast %shift_left3A_140 : i32 to vector<16xi32>
        %shift_left3A_142 = arith.shli %and3A_139, %shift_left3A_141 : vector<16xi32>
        %shift_right_logical3A_143 = arith.shrui %gather3A_136, %shift_left3A_142 : vector<16xi32>
        %shift_left3A_144 = arith.constant 16 : i32
        %shift_left3A_145 = vector.broadcast %shift_left3A_144 : i32 to vector<16xi32>
        %shift_left3A_146 = arith.shli %shift_right_logical3A_143, %shift_left3A_145 : vector<16xi32>
        %bitcast3A_147 = vector.bitcast %shift_left3A_146 : vector<16xi32> to vector<16xf32>
        %mul3A_148 = arith.mulf %get3A_132, %bitcast3A_147 : vector<16xf32>
        tpu.vector_store_idx %arg8[%get3A_128], %mul3A_148 {add = true} : memref<65536xf32, #tpu.memory_space<vmem>>[vector<16xi32>], vector<16xf32>,
        %mul3A_149 = arith.constant 128 : i32
        %mul3A_150 = arith.muli %scan3A_102, %mul3A_149 : i32
        %add3A_151 = arith.constant 32 : i32
        %add3A_152 = arith.addi %mul3A_150, %add3A_151 : i32
        %get3A_153 = arith.index_cast %add3A_152 : i32 to index
        %get3A_154 = tpu.vector_load %arg12[%get3A_153] {strides = array<i32>} : memref<4096xi32, #tpu.memory_space<vmem>>, vector<16xi32>,
        %get3A_155 = arith.index_cast %add3A_152 : i32 to index
        %get3A_156 = tpu.vector_load %arg13[%get3A_155] {strides = array<i32>} : memref<4096xi32, #tpu.memory_space<vmem>>, vector<16xi32>,
        %get3A_157 = arith.index_cast %add3A_152 : i32 to index
        %get3A_158 = tpu.vector_load %arg14[%get3A_157] {strides = array<i32>} : memref<4096xf32, #tpu.memory_space<vmem>>, vector<16xf32>,
        %shift_right_logical3A_159 = arith.constant 1 : i32
        %shift_right_logical3A_160 = vector.broadcast %shift_right_logical3A_159 : i32 to vector<16xi32>
        %shift_right_logical3A_161 = arith.shrui %get3A_156, %shift_right_logical3A_160 : vector<16xi32>
        %gather3A_162 = tpu.vector_load_idx %arg7[%shift_right_logical3A_161] : memref<32768xi32, #tpu.memory_space<vmem>>[vector<16xi32>], vector<16xi32>,
        %and3A_163 = arith.constant 1 : i32
        %and3A_164 = vector.broadcast %and3A_163 : i32 to vector<16xi32>
        %and3A_165 = arith.andi %get3A_156, %and3A_164 : vector<16xi32>
        %shift_left3A_166 = arith.constant 4 : i32
        %shift_left3A_167 = vector.broadcast %shift_left3A_166 : i32 to vector<16xi32>
        %shift_left3A_168 = arith.shli %and3A_165, %shift_left3A_167 : vector<16xi32>
        %shift_right_logical3A_169 = arith.shrui %gather3A_162, %shift_left3A_168 : vector<16xi32>
        %shift_left3A_170 = arith.constant 16 : i32
        %shift_left3A_171 = vector.broadcast %shift_left3A_170 : i32 to vector<16xi32>
        %shift_left3A_172 = arith.shli %shift_right_logical3A_169, %shift_left3A_171 : vector<16xi32>
        %bitcast3A_173 = vector.bitcast %shift_left3A_172 : vector<16xi32> to vector<16xf32>
        %mul3A_174 = arith.mulf %get3A_158, %bitcast3A_173 : vector<16xf32>
        tpu.vector_store_idx %arg8[%get3A_154], %mul3A_174 {add = true} : memref<65536xf32, #tpu.memory_space<vmem>>[vector<16xi32>], vector<16xf32>,
        %mul3A_175 = arith.constant 128 : i32
        %mul3A_176 = arith.muli %scan3A_102, %mul3A_175 : i32
        %add3A_177 = arith.constant 48 : i32
        %add3A_178 = arith.addi %mul3A_176, %add3A_177 : i32
        %get3A_179 = arith.index_cast %add3A_178 : i32 to index
        %get3A_180 = tpu.vector_load %arg12[%get3A_179] {strides = array<i32>} : memref<4096xi32, #tpu.memory_space<vmem>>, vector<16xi32>,
        %get3A_181 = arith.index_cast %add3A_178 : i32 to index
        %get3A_182 = tpu.vector_load %arg13[%get3A_181] {strides = array<i32>} : memref<4096xi32, #tpu.memory_space<vmem>>, vector<16xi32>,
        %get3A_183 = arith.index_cast %add3A_178 : i32 to index
        %get3A_184 = tpu.vector_load %arg14[%get3A_183] {strides = array<i32>} : memref<4096xf32, #tpu.memory_space<vmem>>, vector<16xf32>,
        %shift_right_logical3A_185 = arith.constant 1 : i32
        %shift_right_logical3A_186 = vector.broadcast %shift_right_logical3A_185 : i32 to vector<16xi32>
        %shift_right_logical3A_187 = arith.shrui %get3A_182, %shift_right_logical3A_186 : vector<16xi32>
        %gather3A_188 = tpu.vector_load_idx %arg7[%shift_right_logical3A_187] : memref<32768xi32, #tpu.memory_space<vmem>>[vector<16xi32>], vector<16xi32>,
        %and3A_189 = arith.constant 1 : i32
        %and3A_190 = vector.broadcast %and3A_189 : i32 to vector<16xi32>
        %and3A_191 = arith.andi %get3A_182, %and3A_190 : vector<16xi32>
        %shift_left3A_192 = arith.constant 4 : i32
        %shift_left3A_193 = vector.broadcast %shift_left3A_192 : i32 to vector<16xi32>
        %shift_left3A_194 = arith.shli %and3A_191, %shift_left3A_193 : vector<16xi32>
        %shift_right_logical3A_195 = arith.shrui %gather3A_188, %shift_left3A_194 : vector<16xi32>
        %shift_left3A_196 = arith.constant 16 : i32
        %shift_left3A_197 = vector.broadcast %shift_left3A_196 : i32 to vector<16xi32>
        %shift_left3A_198 = arith.shli %shift_right_logical3A_195, %shift_left3A_197 : vector<16xi32>
        %bitcast3A_199 = vector.bitcast %shift_left3A_198 : vector<16xi32> to vector<16xf32>
        %mul3A_200 = arith.mulf %get3A_184, %bitcast3A_199 : vector<16xf32>
        tpu.vector_store_idx %arg8[%get3A_180], %mul3A_200 {add = true} : memref<65536xf32, #tpu.memory_space<vmem>>[vector<16xi32>], vector<16xf32>,
        %mul3A_201 = arith.constant 128 : i32
        %mul3A_202 = arith.muli %scan3A_102, %mul3A_201 : i32
        %add3A_203 = arith.constant 64 : i32
        %add3A_204 = arith.addi %mul3A_202, %add3A_203 : i32
        %get3A_205 = arith.index_cast %add3A_204 : i32 to index
        %get3A_206 = tpu.vector_load %arg12[%get3A_205] {strides = array<i32>} : memref<4096xi32, #tpu.memory_space<vmem>>, vector<16xi32>,
        %get3A_207 = arith.index_cast %add3A_204 : i32 to index
        %get3A_208 = tpu.vector_load %arg13[%get3A_207] {strides = array<i32>} : memref<4096xi32, #tpu.memory_space<vmem>>, vector<16xi32>,
        %get3A_209 = arith.index_cast %add3A_204 : i32 to index
        %get3A_210 = tpu.vector_load %arg14[%get3A_209] {strides = array<i32>} : memref<4096xf32, #tpu.memory_space<vmem>>, vector<16xf32>,
        %shift_right_logical3A_211 = arith.constant 1 : i32
        %shift_right_logical3A_212 = vector.broadcast %shift_right_logical3A_211 : i32 to vector<16xi32>
        %shift_right_logical3A_213 = arith.shrui %get3A_208, %shift_right_logical3A_212 : vector<16xi32>
        %gather3A_214 = tpu.vector_load_idx %arg7[%shift_right_logical3A_213] : memref<32768xi32, #tpu.memory_space<vmem>>[vector<16xi32>], vector<16xi32>,
        %and3A_215 = arith.constant 1 : i32
        %and3A_216 = vector.broadcast %and3A_215 : i32 to vector<16xi32>
        %and3A_217 = arith.andi %get3A_208, %and3A_216 : vector<16xi32>
        %shift_left3A_218 = arith.constant 4 : i32
        %shift_left3A_219 = vector.broadcast %shift_left3A_218 : i32 to vector<16xi32>
        %shift_left3A_220 = arith.shli %and3A_217, %shift_left3A_219 : vector<16xi32>
        %shift_right_logical3A_221 = arith.shrui %gather3A_214, %shift_left3A_220 : vector<16xi32>
        %shift_left3A_222 = arith.constant 16 : i32
        %shift_left3A_223 = vector.broadcast %shift_left3A_222 : i32 to vector<16xi32>
        %shift_left3A_224 = arith.shli %shift_right_logical3A_221, %shift_left3A_223 : vector<16xi32>
        %bitcast3A_225 = vector.bitcast %shift_left3A_224 : vector<16xi32> to vector<16xf32>
        %mul3A_226 = arith.mulf %get3A_210, %bitcast3A_225 : vector<16xf32>
        tpu.vector_store_idx %arg8[%get3A_206], %mul3A_226 {add = true} : memref<65536xf32, #tpu.memory_space<vmem>>[vector<16xi32>], vector<16xf32>,
        %mul3A_227 = arith.constant 128 : i32
        %mul3A_228 = arith.muli %scan3A_102, %mul3A_227 : i32
        %add3A_229 = arith.constant 80 : i32
        %add3A_230 = arith.addi %mul3A_228, %add3A_229 : i32
        %get3A_231 = arith.index_cast %add3A_230 : i32 to index
        %get3A_232 = tpu.vector_load %arg12[%get3A_231] {strides = array<i32>} : memref<4096xi32, #tpu.memory_space<vmem>>, vector<16xi32>,
        %get3A_233 = arith.index_cast %add3A_230 : i32 to index
        %get3A_234 = tpu.vector_load %arg13[%get3A_233] {strides = array<i32>} : memref<4096xi32, #tpu.memory_space<vmem>>, vector<16xi32>,
        %get3A_235 = arith.index_cast %add3A_230 : i32 to index
        %get3A_236 = tpu.vector_load %arg14[%get3A_235] {strides = array<i32>} : memref<4096xf32, #tpu.memory_space<vmem>>, vector<16xf32>,
        %shift_right_logical3A_237 = arith.constant 1 : i32
        %shift_right_logical3A_238 = vector.broadcast %shift_right_logical3A_237 : i32 to vector<16xi32>
        %shift_right_logical3A_239 = arith.shrui %get3A_234, %shift_right_logical3A_238 : vector<16xi32>
        %gather3A_240 = tpu.vector_load_idx %arg7[%shift_right_logical3A_239] : memref<32768xi32, #tpu.memory_space<vmem>>[vector<16xi32>], vector<16xi32>,
        %and3A_241 = arith.constant 1 : i32
        %and3A_242 = vector.broadcast %and3A_241 : i32 to vector<16xi32>
        %and3A_243 = arith.andi %get3A_234, %and3A_242 : vector<16xi32>
        %shift_left3A_244 = arith.constant 4 : i32
        %shift_left3A_245 = vector.broadcast %shift_left3A_244 : i32 to vector<16xi32>
        %shift_left3A_246 = arith.shli %and3A_243, %shift_left3A_245 : vector<16xi32>
        %shift_right_logical3A_247 = arith.shrui %gather3A_240, %shift_left3A_246 : vector<16xi32>
        %shift_left3A_248 = arith.constant 16 : i32
        %shift_left3A_249 = vector.broadcast %shift_left3A_248 : i32 to vector<16xi32>
        %shift_left3A_250 = arith.shli %shift_right_logical3A_247, %shift_left3A_249 : vector<16xi32>
        %bitcast3A_251 = vector.bitcast %shift_left3A_250 : vector<16xi32> to vector<16xf32>
        %mul3A_252 = arith.mulf %get3A_236, %bitcast3A_251 : vector<16xf32>
        tpu.vector_store_idx %arg8[%get3A_232], %mul3A_252 {add = true} : memref<65536xf32, #tpu.memory_space<vmem>>[vector<16xi32>], vector<16xf32>,
        %mul3A_253 = arith.constant 128 : i32
        %mul3A_254 = arith.muli %scan3A_102, %mul3A_253 : i32
        %add3A_255 = arith.constant 96 : i32
        %add3A_256 = arith.addi %mul3A_254, %add3A_255 : i32
        %get3A_257 = arith.index_cast %add3A_256 : i32 to index
        %get3A_258 = tpu.vector_load %arg12[%get3A_257] {strides = array<i32>} : memref<4096xi32, #tpu.memory_space<vmem>>, vector<16xi32>,
        %get3A_259 = arith.index_cast %add3A_256 : i32 to index
        %get3A_260 = tpu.vector_load %arg13[%get3A_259] {strides = array<i32>} : memref<4096xi32, #tpu.memory_space<vmem>>, vector<16xi32>,
        %get3A_261 = arith.index_cast %add3A_256 : i32 to index
        %get3A_262 = tpu.vector_load %arg14[%get3A_261] {strides = array<i32>} : memref<4096xf32, #tpu.memory_space<vmem>>, vector<16xf32>,
        %shift_right_logical3A_263 = arith.constant 1 : i32
        %shift_right_logical3A_264 = vector.broadcast %shift_right_logical3A_263 : i32 to vector<16xi32>
        %shift_right_logical3A_265 = arith.shrui %get3A_260, %shift_right_logical3A_264 : vector<16xi32>
        %gather3A_266 = tpu.vector_load_idx %arg7[%shift_right_logical3A_265] : memref<32768xi32, #tpu.memory_space<vmem>>[vector<16xi32>], vector<16xi32>,
        %and3A_267 = arith.constant 1 : i32
        %and3A_268 = vector.broadcast %and3A_267 : i32 to vector<16xi32>
        %and3A_269 = arith.andi %get3A_260, %and3A_268 : vector<16xi32>
        %shift_left3A_270 = arith.constant 4 : i32
        %shift_left3A_271 = vector.broadcast %shift_left3A_270 : i32 to vector<16xi32>
        %shift_left3A_272 = arith.shli %and3A_269, %shift_left3A_271 : vector<16xi32>
        %shift_right_logical3A_273 = arith.shrui %gather3A_266, %shift_left3A_272 : vector<16xi32>
        %shift_left3A_274 = arith.constant 16 : i32
        %shift_left3A_275 = vector.broadcast %shift_left3A_274 : i32 to vector<16xi32>
        %shift_left3A_276 = arith.shli %shift_right_logical3A_273, %shift_left3A_275 : vector<16xi32>
        %bitcast3A_277 = vector.bitcast %shift_left3A_276 : vector<16xi32> to vector<16xf32>
        %mul3A_278 = arith.mulf %get3A_262, %bitcast3A_277 : vector<16xf32>
        tpu.vector_store_idx %arg8[%get3A_258], %mul3A_278 {add = true} : memref<65536xf32, #tpu.memory_space<vmem>>[vector<16xi32>], vector<16xf32>,
        %mul3A_279 = arith.constant 128 : i32
        %mul3A_280 = arith.muli %scan3A_102, %mul3A_279 : i32
        %add3A_281 = arith.constant 112 : i32
        %add3A_282 = arith.addi %mul3A_280, %add3A_281 : i32
        %get3A_283 = arith.index_cast %add3A_282 : i32 to index
        %get3A_284 = tpu.vector_load %arg12[%get3A_283] {strides = array<i32>} : memref<4096xi32, #tpu.memory_space<vmem>>, vector<16xi32>,
        %get3A_285 = arith.index_cast %add3A_282 : i32 to index
        %get3A_286 = tpu.vector_load %arg13[%get3A_285] {strides = array<i32>} : memref<4096xi32, #tpu.memory_space<vmem>>, vector<16xi32>,
        %get3A_287 = arith.index_cast %add3A_282 : i32 to index
        %get3A_288 = tpu.vector_load %arg14[%get3A_287] {strides = array<i32>} : memref<4096xf32, #tpu.memory_space<vmem>>, vector<16xf32>,
        %shift_right_logical3A_289 = arith.constant 1 : i32
        %shift_right_logical3A_290 = vector.broadcast %shift_right_logical3A_289 : i32 to vector<16xi32>
        %shift_right_logical3A_291 = arith.shrui %get3A_286, %shift_right_logical3A_290 : vector<16xi32>
        %gather3A_292 = tpu.vector_load_idx %arg7[%shift_right_logical3A_291] : memref<32768xi32, #tpu.memory_space<vmem>>[vector<16xi32>], vector<16xi32>,
        %and3A_293 = arith.constant 1 : i32
        %and3A_294 = vector.broadcast %and3A_293 : i32 to vector<16xi32>
        %and3A_295 = arith.andi %get3A_286, %and3A_294 : vector<16xi32>
        %shift_left3A_296 = arith.constant 4 : i32
        %shift_left3A_297 = vector.broadcast %shift_left3A_296 : i32 to vector<16xi32>
        %shift_left3A_298 = arith.shli %and3A_295, %shift_left3A_297 : vector<16xi32>
        %shift_right_logical3A_299 = arith.shrui %gather3A_292, %shift_left3A_298 : vector<16xi32>
        %shift_left3A_300 = arith.constant 16 : i32
        %shift_left3A_301 = vector.broadcast %shift_left3A_300 : i32 to vector<16xi32>
        %shift_left3A_302 = arith.shli %shift_right_logical3A_299, %shift_left3A_301 : vector<16xi32>
        %bitcast3A_303 = vector.bitcast %shift_left3A_302 : vector<16xi32> to vector<16xf32>
        %mul3A_304 = arith.mulf %get3A_288, %bitcast3A_303 : vector<16xf32>
        tpu.vector_store_idx %arg8[%get3A_284], %mul3A_304 {add = true} : memref<65536xf32, #tpu.memory_space<vmem>>[vector<16xi32>], vector<16xf32>,
      }
      %scan3A_101 = arith.constant 32 : i32
    }
    %scan3A_27 = arith.constant 16 : i32
    %dma_wait3A = arith.constant 0 : i32
    %dma_wait3A_28 = tpu.memref_slice %arg3[%dma_wait3A] : memref<4194304xi32, #tpu.memory_space<hbm>> -> memref<4096xi32, #tpu.memory_space<hbm>>
    %dma_wait3A_29 = arith.constant 0 : i32
    %dma_wait3A_30 = tpu.memref_slice %arg3[%dma_wait3A_29] : memref<4194304xi32, #tpu.memory_space<hbm>> -> memref<4096xi32, #tpu.memory_space<hbm>>
    tpu.wait_dma2 semaphore(%arg15 : memref<!tpu.dma_semaphore, #tpu.memory_space<semaphore_mem>>) src(%dma_wait3A_30 : memref<4096xi32, #tpu.memory_space<hbm>>) dst(%arg9 : memref<4096xi32, #tpu.memory_space<vmem>>)
    %dma_wait3A_31 = arith.constant 0 : i32
    %dma_wait3A_32 = tpu.memref_slice %arg4[%dma_wait3A_31] : memref<4194304xi32, #tpu.memory_space<hbm>> -> memref<4096xi32, #tpu.memory_space<hbm>>
    %dma_wait3A_33 = arith.constant 0 : i32
    %dma_wait3A_34 = tpu.memref_slice %arg4[%dma_wait3A_33] : memref<4194304xi32, #tpu.memory_space<hbm>> -> memref<4096xi32, #tpu.memory_space<hbm>>
    tpu.wait_dma2 semaphore(%arg15 : memref<!tpu.dma_semaphore, #tpu.memory_space<semaphore_mem>>) src(%dma_wait3A_34 : memref<4096xi32, #tpu.memory_space<hbm>>) dst(%arg10 : memref<4096xi32, #tpu.memory_space<vmem>>)
    %dma_wait3A_35 = arith.constant 0 : i32
    %dma_wait3A_36 = tpu.memref_slice %arg5[%dma_wait3A_35] : memref<4194304xf32, #tpu.memory_space<hbm>> -> memref<4096xf32, #tpu.memory_space<hbm>>
    %dma_wait3A_37 = arith.constant 0 : i32
    %dma_wait3A_38 = tpu.memref_slice %arg5[%dma_wait3A_37] : memref<4194304xf32, #tpu.memory_space<hbm>> -> memref<4096xf32, #tpu.memory_space<hbm>>
    tpu.wait_dma2 semaphore(%arg15 : memref<!tpu.dma_semaphore, #tpu.memory_space<semaphore_mem>>) src(%dma_wait3A_38 : memref<4096xf32, #tpu.memory_space<hbm>>) dst(%arg11 : memref<4096xf32, #tpu.memory_space<vmem>>)
    "tpu.region"() ({
      %run_scoped3A = tpu.sem_alloc : memref<!tpu.dma_semaphore, #tpu.memory_space<semaphore_mem>>
      %dma_start3A_39 = arith.constant 0 : i32
      %dma_start3A_40 = tpu.memref_slice %arg6[%add3A, %dma_start3A_39] : memref<32x65536xf32, #tpu.memory_space<hbm>> -> memref<1x65536xf32, #tpu.memory_space<hbm>>
      %dma_start3A_41 = tpu.memref_squeeze %dma_start3A_40 : memref<1x65536xf32, #tpu.memory_space<hbm>> -> memref<65536xf32, #tpu.memory_space<hbm>>
      %dma_start3A_42 = arith.constant 0 : i32
      %dma_start3A_43 = tpu.memref_slice %arg6[%add3A, %dma_start3A_42] : memref<32x65536xf32, #tpu.memory_space<hbm>> -> memref<1x65536xf32, #tpu.memory_space<hbm>>
      %dma_start3A_44 = tpu.memref_squeeze %dma_start3A_43 : memref<1x65536xf32, #tpu.memory_space<hbm>> -> memref<65536xf32, #tpu.memory_space<hbm>>
      tpu.enqueue_dma source(%arg8 : memref<65536xf32, #tpu.memory_space<vmem>>) target(%dma_start3A_44 : memref<65536xf32, #tpu.memory_space<hbm>>) target_semaphore(%run_scoped3A : memref<!tpu.dma_semaphore, #tpu.memory_space<semaphore_mem>>)
      %dma_wait3A_45 = arith.constant 0 : i32
      %dma_wait3A_46 = tpu.memref_slice %arg6[%add3A, %dma_wait3A_45] : memref<32x65536xf32, #tpu.memory_space<hbm>> -> memref<1x65536xf32, #tpu.memory_space<hbm>>
      %dma_wait3A_47 = tpu.memref_squeeze %dma_wait3A_46 : memref<1x65536xf32, #tpu.memory_space<hbm>> -> memref<65536xf32, #tpu.memory_space<hbm>>
      %dma_wait3A_48 = arith.constant 0 : i32
      %dma_wait3A_49 = tpu.memref_slice %arg6[%add3A, %dma_wait3A_48] : memref<32x65536xf32, #tpu.memory_space<hbm>> -> memref<1x65536xf32, #tpu.memory_space<hbm>>
      %dma_wait3A_50 = tpu.memref_squeeze %dma_wait3A_49 : memref<1x65536xf32, #tpu.memory_space<hbm>> -> memref<65536xf32, #tpu.memory_space<hbm>>
      tpu.wait_dma2 semaphore(%run_scoped3A : memref<!tpu.dma_semaphore, #tpu.memory_space<semaphore_mem>>) src(%arg8 : memref<65536xf32, #tpu.memory_space<vmem>>) dst(%dma_wait3A_50 : memref<65536xf32, #tpu.memory_space<hbm>>)
      tpu.yield
    }) : () -> ()
    return
  }
}

module attributes {stable_mosaic.version = 14 : i64} {
  func.func @body(%arg0: memref<32x512x128xf32, #tpu.memory_space<vmem>>, %arg1: memref<512x128xf32, #tpu.memory_space<vmem>>) attributes {dimension_semantics = [], scalar_prefetch = 0 : i64, scratch_operands = 0 : i64, tpu.core_type = #tpu.core_type<tc>} {
    %get3A = arith.constant 0 : index
    %get3A_0 = arith.constant 0 : index
    %get3A_1 = arith.constant 0 : index
    %get3A_2 = vector.load %arg0[%get3A, %get3A_0, %get3A_1] : memref<32x512x128xf32, #tpu.memory_space<vmem>>, vector<1x512x128xf32>
    %get3A_3 = vector.shape_cast %get3A_2 : vector<1x512x128xf32> to vector<512x128xf32>
    %get3A_4 = arith.constant 1 : index
    %get3A_5 = arith.constant 0 : index
    %get3A_6 = arith.constant 0 : index
    %get3A_7 = vector.load %arg0[%get3A_4, %get3A_5, %get3A_6] : memref<32x512x128xf32, #tpu.memory_space<vmem>>, vector<1x512x128xf32>
    %get3A_8 = vector.shape_cast %get3A_7 : vector<1x512x128xf32> to vector<512x128xf32>
    %add3A = arith.addf %get3A_3, %get3A_8 : vector<512x128xf32>
    %get3A_9 = arith.constant 2 : index
    %get3A_10 = arith.constant 0 : index
    %get3A_11 = arith.constant 0 : index
    %get3A_12 = vector.load %arg0[%get3A_9, %get3A_10, %get3A_11] : memref<32x512x128xf32, #tpu.memory_space<vmem>>, vector<1x512x128xf32>
    %get3A_13 = vector.shape_cast %get3A_12 : vector<1x512x128xf32> to vector<512x128xf32>
    %add3A_14 = arith.addf %add3A, %get3A_13 : vector<512x128xf32>
    %get3A_15 = arith.constant 3 : index
    %get3A_16 = arith.constant 0 : index
    %get3A_17 = arith.constant 0 : index
    %get3A_18 = vector.load %arg0[%get3A_15, %get3A_16, %get3A_17] : memref<32x512x128xf32, #tpu.memory_space<vmem>>, vector<1x512x128xf32>
    %get3A_19 = vector.shape_cast %get3A_18 : vector<1x512x128xf32> to vector<512x128xf32>
    %add3A_20 = arith.addf %add3A_14, %get3A_19 : vector<512x128xf32>
    %get3A_21 = arith.constant 4 : index
    %get3A_22 = arith.constant 0 : index
    %get3A_23 = arith.constant 0 : index
    %get3A_24 = vector.load %arg0[%get3A_21, %get3A_22, %get3A_23] : memref<32x512x128xf32, #tpu.memory_space<vmem>>, vector<1x512x128xf32>
    %get3A_25 = vector.shape_cast %get3A_24 : vector<1x512x128xf32> to vector<512x128xf32>
    %add3A_26 = arith.addf %add3A_20, %get3A_25 : vector<512x128xf32>
    %get3A_27 = arith.constant 5 : index
    %get3A_28 = arith.constant 0 : index
    %get3A_29 = arith.constant 0 : index
    %get3A_30 = vector.load %arg0[%get3A_27, %get3A_28, %get3A_29] : memref<32x512x128xf32, #tpu.memory_space<vmem>>, vector<1x512x128xf32>
    %get3A_31 = vector.shape_cast %get3A_30 : vector<1x512x128xf32> to vector<512x128xf32>
    %add3A_32 = arith.addf %add3A_26, %get3A_31 : vector<512x128xf32>
    %get3A_33 = arith.constant 6 : index
    %get3A_34 = arith.constant 0 : index
    %get3A_35 = arith.constant 0 : index
    %get3A_36 = vector.load %arg0[%get3A_33, %get3A_34, %get3A_35] : memref<32x512x128xf32, #tpu.memory_space<vmem>>, vector<1x512x128xf32>
    %get3A_37 = vector.shape_cast %get3A_36 : vector<1x512x128xf32> to vector<512x128xf32>
    %add3A_38 = arith.addf %add3A_32, %get3A_37 : vector<512x128xf32>
    %get3A_39 = arith.constant 7 : index
    %get3A_40 = arith.constant 0 : index
    %get3A_41 = arith.constant 0 : index
    %get3A_42 = vector.load %arg0[%get3A_39, %get3A_40, %get3A_41] : memref<32x512x128xf32, #tpu.memory_space<vmem>>, vector<1x512x128xf32>
    %get3A_43 = vector.shape_cast %get3A_42 : vector<1x512x128xf32> to vector<512x128xf32>
    %add3A_44 = arith.addf %add3A_38, %get3A_43 : vector<512x128xf32>
    %get3A_45 = arith.constant 8 : index
    %get3A_46 = arith.constant 0 : index
    %get3A_47 = arith.constant 0 : index
    %get3A_48 = vector.load %arg0[%get3A_45, %get3A_46, %get3A_47] : memref<32x512x128xf32, #tpu.memory_space<vmem>>, vector<1x512x128xf32>
    %get3A_49 = vector.shape_cast %get3A_48 : vector<1x512x128xf32> to vector<512x128xf32>
    %add3A_50 = arith.addf %add3A_44, %get3A_49 : vector<512x128xf32>
    %get3A_51 = arith.constant 9 : index
    %get3A_52 = arith.constant 0 : index
    %get3A_53 = arith.constant 0 : index
    %get3A_54 = vector.load %arg0[%get3A_51, %get3A_52, %get3A_53] : memref<32x512x128xf32, #tpu.memory_space<vmem>>, vector<1x512x128xf32>
    %get3A_55 = vector.shape_cast %get3A_54 : vector<1x512x128xf32> to vector<512x128xf32>
    %add3A_56 = arith.addf %add3A_50, %get3A_55 : vector<512x128xf32>
    %get3A_57 = arith.constant 10 : index
    %get3A_58 = arith.constant 0 : index
    %get3A_59 = arith.constant 0 : index
    %get3A_60 = vector.load %arg0[%get3A_57, %get3A_58, %get3A_59] : memref<32x512x128xf32, #tpu.memory_space<vmem>>, vector<1x512x128xf32>
    %get3A_61 = vector.shape_cast %get3A_60 : vector<1x512x128xf32> to vector<512x128xf32>
    %add3A_62 = arith.addf %add3A_56, %get3A_61 : vector<512x128xf32>
    %get3A_63 = arith.constant 11 : index
    %get3A_64 = arith.constant 0 : index
    %get3A_65 = arith.constant 0 : index
    %get3A_66 = vector.load %arg0[%get3A_63, %get3A_64, %get3A_65] : memref<32x512x128xf32, #tpu.memory_space<vmem>>, vector<1x512x128xf32>
    %get3A_67 = vector.shape_cast %get3A_66 : vector<1x512x128xf32> to vector<512x128xf32>
    %add3A_68 = arith.addf %add3A_62, %get3A_67 : vector<512x128xf32>
    %get3A_69 = arith.constant 12 : index
    %get3A_70 = arith.constant 0 : index
    %get3A_71 = arith.constant 0 : index
    %get3A_72 = vector.load %arg0[%get3A_69, %get3A_70, %get3A_71] : memref<32x512x128xf32, #tpu.memory_space<vmem>>, vector<1x512x128xf32>
    %get3A_73 = vector.shape_cast %get3A_72 : vector<1x512x128xf32> to vector<512x128xf32>
    %add3A_74 = arith.addf %add3A_68, %get3A_73 : vector<512x128xf32>
    %get3A_75 = arith.constant 13 : index
    %get3A_76 = arith.constant 0 : index
    %get3A_77 = arith.constant 0 : index
    %get3A_78 = vector.load %arg0[%get3A_75, %get3A_76, %get3A_77] : memref<32x512x128xf32, #tpu.memory_space<vmem>>, vector<1x512x128xf32>
    %get3A_79 = vector.shape_cast %get3A_78 : vector<1x512x128xf32> to vector<512x128xf32>
    %add3A_80 = arith.addf %add3A_74, %get3A_79 : vector<512x128xf32>
    %get3A_81 = arith.constant 14 : index
    %get3A_82 = arith.constant 0 : index
    %get3A_83 = arith.constant 0 : index
    %get3A_84 = vector.load %arg0[%get3A_81, %get3A_82, %get3A_83] : memref<32x512x128xf32, #tpu.memory_space<vmem>>, vector<1x512x128xf32>
    %get3A_85 = vector.shape_cast %get3A_84 : vector<1x512x128xf32> to vector<512x128xf32>
    %add3A_86 = arith.addf %add3A_80, %get3A_85 : vector<512x128xf32>
    %get3A_87 = arith.constant 15 : index
    %get3A_88 = arith.constant 0 : index
    %get3A_89 = arith.constant 0 : index
    %get3A_90 = vector.load %arg0[%get3A_87, %get3A_88, %get3A_89] : memref<32x512x128xf32, #tpu.memory_space<vmem>>, vector<1x512x128xf32>
    %get3A_91 = vector.shape_cast %get3A_90 : vector<1x512x128xf32> to vector<512x128xf32>
    %add3A_92 = arith.addf %add3A_86, %get3A_91 : vector<512x128xf32>
    %get3A_93 = arith.constant 16 : index
    %get3A_94 = arith.constant 0 : index
    %get3A_95 = arith.constant 0 : index
    %get3A_96 = vector.load %arg0[%get3A_93, %get3A_94, %get3A_95] : memref<32x512x128xf32, #tpu.memory_space<vmem>>, vector<1x512x128xf32>
    %get3A_97 = vector.shape_cast %get3A_96 : vector<1x512x128xf32> to vector<512x128xf32>
    %add3A_98 = arith.addf %add3A_92, %get3A_97 : vector<512x128xf32>
    %get3A_99 = arith.constant 17 : index
    %get3A_100 = arith.constant 0 : index
    %get3A_101 = arith.constant 0 : index
    %get3A_102 = vector.load %arg0[%get3A_99, %get3A_100, %get3A_101] : memref<32x512x128xf32, #tpu.memory_space<vmem>>, vector<1x512x128xf32>
    %get3A_103 = vector.shape_cast %get3A_102 : vector<1x512x128xf32> to vector<512x128xf32>
    %add3A_104 = arith.addf %add3A_98, %get3A_103 : vector<512x128xf32>
    %get3A_105 = arith.constant 18 : index
    %get3A_106 = arith.constant 0 : index
    %get3A_107 = arith.constant 0 : index
    %get3A_108 = vector.load %arg0[%get3A_105, %get3A_106, %get3A_107] : memref<32x512x128xf32, #tpu.memory_space<vmem>>, vector<1x512x128xf32>
    %get3A_109 = vector.shape_cast %get3A_108 : vector<1x512x128xf32> to vector<512x128xf32>
    %add3A_110 = arith.addf %add3A_104, %get3A_109 : vector<512x128xf32>
    %get3A_111 = arith.constant 19 : index
    %get3A_112 = arith.constant 0 : index
    %get3A_113 = arith.constant 0 : index
    %get3A_114 = vector.load %arg0[%get3A_111, %get3A_112, %get3A_113] : memref<32x512x128xf32, #tpu.memory_space<vmem>>, vector<1x512x128xf32>
    %get3A_115 = vector.shape_cast %get3A_114 : vector<1x512x128xf32> to vector<512x128xf32>
    %add3A_116 = arith.addf %add3A_110, %get3A_115 : vector<512x128xf32>
    %get3A_117 = arith.constant 20 : index
    %get3A_118 = arith.constant 0 : index
    %get3A_119 = arith.constant 0 : index
    %get3A_120 = vector.load %arg0[%get3A_117, %get3A_118, %get3A_119] : memref<32x512x128xf32, #tpu.memory_space<vmem>>, vector<1x512x128xf32>
    %get3A_121 = vector.shape_cast %get3A_120 : vector<1x512x128xf32> to vector<512x128xf32>
    %add3A_122 = arith.addf %add3A_116, %get3A_121 : vector<512x128xf32>
    %get3A_123 = arith.constant 21 : index
    %get3A_124 = arith.constant 0 : index
    %get3A_125 = arith.constant 0 : index
    %get3A_126 = vector.load %arg0[%get3A_123, %get3A_124, %get3A_125] : memref<32x512x128xf32, #tpu.memory_space<vmem>>, vector<1x512x128xf32>
    %get3A_127 = vector.shape_cast %get3A_126 : vector<1x512x128xf32> to vector<512x128xf32>
    %add3A_128 = arith.addf %add3A_122, %get3A_127 : vector<512x128xf32>
    %get3A_129 = arith.constant 22 : index
    %get3A_130 = arith.constant 0 : index
    %get3A_131 = arith.constant 0 : index
    %get3A_132 = vector.load %arg0[%get3A_129, %get3A_130, %get3A_131] : memref<32x512x128xf32, #tpu.memory_space<vmem>>, vector<1x512x128xf32>
    %get3A_133 = vector.shape_cast %get3A_132 : vector<1x512x128xf32> to vector<512x128xf32>
    %add3A_134 = arith.addf %add3A_128, %get3A_133 : vector<512x128xf32>
    %get3A_135 = arith.constant 23 : index
    %get3A_136 = arith.constant 0 : index
    %get3A_137 = arith.constant 0 : index
    %get3A_138 = vector.load %arg0[%get3A_135, %get3A_136, %get3A_137] : memref<32x512x128xf32, #tpu.memory_space<vmem>>, vector<1x512x128xf32>
    %get3A_139 = vector.shape_cast %get3A_138 : vector<1x512x128xf32> to vector<512x128xf32>
    %add3A_140 = arith.addf %add3A_134, %get3A_139 : vector<512x128xf32>
    %get3A_141 = arith.constant 24 : index
    %get3A_142 = arith.constant 0 : index
    %get3A_143 = arith.constant 0 : index
    %get3A_144 = vector.load %arg0[%get3A_141, %get3A_142, %get3A_143] : memref<32x512x128xf32, #tpu.memory_space<vmem>>, vector<1x512x128xf32>
    %get3A_145 = vector.shape_cast %get3A_144 : vector<1x512x128xf32> to vector<512x128xf32>
    %add3A_146 = arith.addf %add3A_140, %get3A_145 : vector<512x128xf32>
    %get3A_147 = arith.constant 25 : index
    %get3A_148 = arith.constant 0 : index
    %get3A_149 = arith.constant 0 : index
    %get3A_150 = vector.load %arg0[%get3A_147, %get3A_148, %get3A_149] : memref<32x512x128xf32, #tpu.memory_space<vmem>>, vector<1x512x128xf32>
    %get3A_151 = vector.shape_cast %get3A_150 : vector<1x512x128xf32> to vector<512x128xf32>
    %add3A_152 = arith.addf %add3A_146, %get3A_151 : vector<512x128xf32>
    %get3A_153 = arith.constant 26 : index
    %get3A_154 = arith.constant 0 : index
    %get3A_155 = arith.constant 0 : index
    %get3A_156 = vector.load %arg0[%get3A_153, %get3A_154, %get3A_155] : memref<32x512x128xf32, #tpu.memory_space<vmem>>, vector<1x512x128xf32>
    %get3A_157 = vector.shape_cast %get3A_156 : vector<1x512x128xf32> to vector<512x128xf32>
    %add3A_158 = arith.addf %add3A_152, %get3A_157 : vector<512x128xf32>
    %get3A_159 = arith.constant 27 : index
    %get3A_160 = arith.constant 0 : index
    %get3A_161 = arith.constant 0 : index
    %get3A_162 = vector.load %arg0[%get3A_159, %get3A_160, %get3A_161] : memref<32x512x128xf32, #tpu.memory_space<vmem>>, vector<1x512x128xf32>
    %get3A_163 = vector.shape_cast %get3A_162 : vector<1x512x128xf32> to vector<512x128xf32>
    %add3A_164 = arith.addf %add3A_158, %get3A_163 : vector<512x128xf32>
    %get3A_165 = arith.constant 28 : index
    %get3A_166 = arith.constant 0 : index
    %get3A_167 = arith.constant 0 : index
    %get3A_168 = vector.load %arg0[%get3A_165, %get3A_166, %get3A_167] : memref<32x512x128xf32, #tpu.memory_space<vmem>>, vector<1x512x128xf32>
    %get3A_169 = vector.shape_cast %get3A_168 : vector<1x512x128xf32> to vector<512x128xf32>
    %add3A_170 = arith.addf %add3A_164, %get3A_169 : vector<512x128xf32>
    %get3A_171 = arith.constant 29 : index
    %get3A_172 = arith.constant 0 : index
    %get3A_173 = arith.constant 0 : index
    %get3A_174 = vector.load %arg0[%get3A_171, %get3A_172, %get3A_173] : memref<32x512x128xf32, #tpu.memory_space<vmem>>, vector<1x512x128xf32>
    %get3A_175 = vector.shape_cast %get3A_174 : vector<1x512x128xf32> to vector<512x128xf32>
    %add3A_176 = arith.addf %add3A_170, %get3A_175 : vector<512x128xf32>
    %get3A_177 = arith.constant 30 : index
    %get3A_178 = arith.constant 0 : index
    %get3A_179 = arith.constant 0 : index
    %get3A_180 = vector.load %arg0[%get3A_177, %get3A_178, %get3A_179] : memref<32x512x128xf32, #tpu.memory_space<vmem>>, vector<1x512x128xf32>
    %get3A_181 = vector.shape_cast %get3A_180 : vector<1x512x128xf32> to vector<512x128xf32>
    %add3A_182 = arith.addf %add3A_176, %get3A_181 : vector<512x128xf32>
    %get3A_183 = arith.constant 31 : index
    %get3A_184 = arith.constant 0 : index
    %get3A_185 = arith.constant 0 : index
    %get3A_186 = vector.load %arg0[%get3A_183, %get3A_184, %get3A_185] : memref<32x512x128xf32, #tpu.memory_space<vmem>>, vector<1x512x128xf32>
    %get3A_187 = vector.shape_cast %get3A_186 : vector<1x512x128xf32> to vector<512x128xf32>
    %add3A_188 = arith.addf %add3A_182, %get3A_187 : vector<512x128xf32>
    %swap3A = arith.constant 0 : index
    %swap3A_189 = arith.constant 0 : index
    %swap3A_190 = vector.load %arg1[%swap3A, %swap3A_189] : memref<512x128xf32, #tpu.memory_space<vmem>>, vector<512x128xf32>
    tpu.vector_store %arg1[%swap3A, %swap3A_189], %add3A_188 {strides = array<i32>} : memref<512x128xf32, #tpu.memory_space<vmem>>, vector<512x128xf32>,
    return
  }
}

</mosaic_0001>

<sc_bundles>
// kernel: kernel.4.cloned.1.call-start
scs
__scs_entry_jumppad:
0x0: {  	(pc) =	sbr.rel $0x88, $3  }
0x1: {  	(tag) =	ssettag $0x0;
	lr =	simm.s32 $0x1  }
0x2: {  	[smem:$0x3F9D] =	sst lr;
	_ =	strace $0xD0000000  }
0x3: {  	_ = 	snop  }
0x4: {  	_ = 	snop  }
0x5: {  	_ = 	snop  }
0x6: {  	_ = 	snop  }
0x7: {  	_ = 	snop  }
__scs_overlays_trampoline_lowered:
0x8: {  	[smem:$0x3FAC] =	sst s0  }
0x9: {  	[smem:$0x3FAD] =	sst s1  }
0xa: {  	[smem:$0x3FAE] =	sst s2  }
0xb: {  	[smem:$0x3FAF] =	sst s3  }
0xc: {  	[smem:$0x3FB0] =	sst s4  }
0xd: {  	[smem:$0x3FB1] =	sst s5  }
0xe: {  	[smem:$0x3FB2] =	sst s6  }
0xf: {  	[smem:$0x3FB3] =	sst s7  }
0x10: {  	[smem:$0x3FB4] =	sst s8  }
0x11: {  	[smem:$0x3FB5] =	sst s9;
	s0 =	simm.s32 @!p0 $0x0  }
0x12: {  	s1 =	sld [smem:$0x3F9B];
	s0 =	simm.s32 @p0 $0x1  }
0x13: {  	[smem:$0x3FB6] =	sst s0;
	s0 =	simm.s32 @!p1 $0x0  }
0x14: {  	s2 =	sld [smem:$0x3F9A];
	s0 =	simm.s32 @p1 $0x1  }
0x15: {  	[smem:$0x3FB7] =	sst s0;
	s0 =	simm.s32 @!p2 $0x0  }
0x16: {  	s3 =	sld [smem:$0x3FDB];
	s0 =	simm.s32 @p2 $0x1  }
0x17: {  	s4 =	simm.s32 $0x1BF5;
	[smem:$0x3FB9] =	sst s0  }
0x18: {  	s0 =	sld [smem:$0x3F9C];
	_ =	swait.ge [sflag:s4], $0x0  }
0x19: {  	s7 =	sld [smem:$0x3F9D]  }
0x1a: {  	s8 =	sadd.s32 $0xFFFFE003, lr  }
0x1b: {  	s9 =	sadd.s32 $0xFFFFFEF7, lr;
	s5 =	simm.s32 $0xFFFFFFFF;
	p2 =	slt.u32 s8, $0xFFFFF086  }
0x1c: {  	p1 =	slt.u32 s9, $0xF7A;
	s5 =	simm.s32 @!p2 $0x0  }
0x1d: {  	s5 =	simm.s32 @p1 $0x1;
	p0 =	seq.s32 s7, s2  }
0x1e: {  	s7 =	smul.u32 @!p0 $0xF7A, s2;
	p2 =	seq.s32 @!p0 s5, $0x0  }
0x1f: {  	s9 =	smul.u32 $0xF7A, s1;
	s8 =	simm.s32 @!p0 $0x1BF5;
	p2 =	por !p2, p0  }
0x20: {  	[sflag:s8] =	ssyncset.s32 @!p0 $0xFFFFF086;
	s6 =	sadd.s32 @!p0 s3, s7;
	s7 =	simm.s32 @!p0 $0x108  }
0x21: {  	s3 =	sadd.s32 s3, s9;
	s6 =	sadd.s32 @!p0 $0x88, s6;
	s7 =	simm.s32 @p2 $0x1082  }
0x22: {  	[simem:s7], [sflag:s8] =	dma.local @!p0 [hbm:s6], $0xF7A  }
0x23: {  	s9 =	sor.u32 $0xD0000000, s2;
	s6 =	simm.s32 $0x108;
	_ =	swait.ge @!p0 [sflag:s8], $0x0  }
0x24: {  	s3 =	sadd.s32 $0x88, s3;
	s6 =	simm.s32 @!p1 $0x1082;
	[sflag:s4] =	ssyncset.s32 $0xFFFFF086  }
0x25: {  	[simem:s6], [sflag:s4] =	dma.local [hbm:s3], $0xF7A  }
0x26: {  	[smem:$0x3F9D] =	sst s1;
	(tag) =	ssettag s2;
	_ =	strace s9  }
0x27: {  	s1 =	sld [smem:$0x3FAD]  }
0x28: {  	s2 =	sld [smem:$0x3FAE]  }
0x29: {  	s4 =	sld [smem:$0x3FB0]  }
0x2a: {  	p0 =	seq.s32 s5, $0x0;
	s5 =	sld [smem:$0x3FB1]  }
0x2b: {  	s6 =	sld [smem:$0x3FB2]  }
0x2c: {  	s7 =	sld [smem:$0x3FB3]  }
0x2d: {  	s3 =	simm.s32 $0x108;
	s8 =	sld [smem:$0x3FB4]  }
0x2e: {  	s3 =	simm.s32 @!p0 $0x1082;
	s9 =	sld [smem:$0x3FB5]  }
0x2f: {  	lr =	sadd.s32 s0, s3;
	s0 =	sld [smem:$0x3FAC]  }
0x30: {  	s3 =	sld [smem:$0x3FAF]  }
0x31: {  	[smem:$0x3FB8] =	sst s10  }
0x32: {  	s10 =	sld [smem:$0x3FB6];
	_ =	sdelay $0x3  }
0x33: {  	p0 =	seq.s32 s10, $0x1;
	s10 =	sld [smem:$0x3FB8];
	_ =	sdelay $0x3  }
0x34: {  	[smem:$0x3FB8] =	sst s10  }
0x35: {  	s10 =	sld [smem:$0x3FB7];
	_ =	sdelay $0x3  }
0x36: {  	p1 =	seq.s32 s10, $0x1;
	s10 =	sld [smem:$0x3FB8];
	_ =	sdelay $0x3  }
0x37: {  	[smem:$0x3FB8] =	sst s10  }
0x38: {  	s10 =	sld [smem:$0x3FB9]  }
0x39: {  	_ = 	snop;
	(pc) =	sbr.ind lr, $3  }
0x3a: {  	_ = 	snop  }
0x3b: {  	_ = 	snop  }
0x3c: {  	p2 =	seq.s32 s10, $0x1;
	s10 =	sld [smem:$0x3FB8]  }
0x3d: {  	_ =	shalt  }
0x3e: {  	_ =	shalt  }
0x3f: {  	_ =	shalt  }
0x40: {  	_ =	shalt  }
0x41: {  	_ =	shalt  }
0x42: {  	_ =	shalt  }
0x43: {  	_ =	shalt  }
0x44: {  	_ =	shalt  }
0x45: {  	_ =	shalt  }
0x46: {  	_ =	shalt  }
0x47: {  	_ =	shalt  }
0x48: {  	_ =	shalt  }
0x49: {  	_ =	shalt  }
0x4a: {  	_ =	shalt  }
0x4b: {  	_ =	shalt  }
0x4c: {  	_ =	shalt  }
0x4d: {  	_ =	shalt  }
0x4e: {  	_ =	shalt  }
0x4f: {  	_ =	shalt  }
0x50: {  	_ =	shalt  }
0x51: {  	_ =	shalt  }
0x52: {  	_ =	shalt  }
0x53: {  	_ =	shalt  }
0x54: {  	_ =	shalt  }
0x55: {  	_ =	shalt  }
0x56: {  	_ =	shalt  }
0x57: {  	_ =	shalt  }
0x58: {  	_ =	shalt  }
0x59: {  	_ =	shalt  }
0x5a: {  	_ =	shalt  }
0x5b: {  	_ =	shalt  }
0x5c: {  	_ =	shalt  }
0x5d: {  	_ =	shalt  }
0x5e: {  	_ =	shalt  }
0x5f: {  	_ =	shalt  }
0x60: {  	_ =	shalt  }
0x61: {  	_ =	shalt  }
0x62: {  	_ =	shalt  }
0x63: {  	_ =	shalt  }
0x64: {  	_ =	shalt  }
0x65: {  	_ =	shalt  }
0x66: {  	_ =	shalt  }
0x67: {  	_ =	shalt  }
0x68: {  	_ =	shalt  }
0x69: {  	_ =	shalt  }
0x6a: {  	_ =	shalt  }
0x6b: {  	_ =	shalt  }
0x6c: {  	_ =	shalt  }
0x6d: {  	_ =	shalt  }
0x6e: {  	_ =	shalt  }
0x6f: {  	_ =	shalt  }
0x70: {  	_ =	shalt  }
0x71: {  	_ =	shalt  }
0x72: {  	_ =	shalt  }
0x73: {  	_ =	shalt  }
0x74: {  	_ =	shalt  }
0x75: {  	_ =	shalt  }
0x76: {  	_ =	shalt  }
0x77: {  	_ =	shalt  }
0x78: {  	_ =	shalt  }
0x79: {  	_ =	shalt  }
0x7a: {  	_ =	shalt  }
0x7b: {  	_ =	shalt  }
0x7c: {  	_ =	shalt  }
0x7d: {  	_ =	shalt  }
0x7e: {  	_ =	shalt  }
0x7f: {  	_ =	shalt  }
0x80: {  	_ =	shalt  }
0x81: {  	_ =	shalt  }
0x82: {  	_ =	shalt  }
0x83: {  	_ =	shalt  }
0x84: {  	_ =	shalt  }
0x85: {  	_ =	shalt  }
0x86: {  	_ =	shalt  }
0x87: {  	_ =	shalt  }
.Lfunc_end0:
.L_simem_size_0:
called_computation_lowered:
.L_overlay_start_0:
0x88: {  	s2 =	sld [smem:$0x3FD9]  }
0x89: {  	s3 =	sld [smem:$0x3FFE];
	_ =	sdelay $0x1  }
0x8a: {  	s1 =	srdreg.scid  }
0x8b: {  	s0 =	sand.u32 $0x1, s1  }
0x8c: {  	s17 =	sshll.u32 s0, $0xA;
	s2 =	sadd.s32 s3, s2  }
0x8d: {  	s2 =	sadd.s32 s2, s17  }
0x8e: {  	[smem:$0x3FC4] =	sst s2  }
0x8f: {  	_ = 	snop  }
0x90: {  	s2 =	sld [smem:$0x3FC8]  }
0x91: {  	s18 =	sld [smem:$0x3FC7]  }
0x92: {  	s4 =	sld [smem:$0x3FC6]  }
0x93: {  	s5 =	sld [smem:$0x3FD0];
	(tm) =	ssettm $0x1  }
0x94: {  	s6 =	sld [smem:$0x3FFB];
	_ =	sdelay $0x3  }
0x95: {  	_ =	strace s6  }
0x96: {  	s6 =	sld [smem:$0x3FFC];
	_ =	sdelay $0x3  }
0x97: {  	_ =	strace s6  }
0x98: {  	s6 =	sld [smem:$0x3FFD];
	_ =	sdelay $0x3  }
0x99: {  	_ =	strace s6  }
0x9a: {  	_ =	strace $0x8FFFFFFF  }
0x9b: {  	s19 =	sld [smem:$0x3FDB];
	_ =	sdelay $0x1  }
0x9c: {  	s7 =	simm.s32 $_scs_section_size  }
0x9d: {  	s8 =	simm.s32 $_size__tile_overlayer_lowered;
	s9 =	simm.s32 $_tile_overlayer_lowered  }
0x9e: {  	s22 =	simm.s32 $0x1BFF;
	s21 =	sshll.u32 s9, $0x1;
	s6 =	sadd.s32 s7, s19  }
0x9f: {  	s10 =	simm.s32 $0x0;
	s20 =	sshll.u32 s8, $0x1;
	s8 =	sadd.s32 s21, s6  }
0xa0: {  	[timem:s10], [sflag:s22] =	dma.local [hbm:s8], s20  }
0xa1: {  	_ =	swait.ge [sflag:s22], s20  }
0xa2: {  	s7 =	ssub.s32 $0x0, s20;
	[sflag:s22] =	ssyncset.done $0x0  }
0xa3: {  	[sflag:s22] =	ssyncadd.s32 s7;
	_ =	sdelay $0x1  }
0xa4: {  	s23 =	simm.s32 $0x1B8B  }
0xa5: {  	_ =	swait.ge [sflag:s23], $0x1  }
0xa6: {  	[sflag:s23] =	ssyncset.done $0x0  }
0xa7: {  	s25 =	simm.s32 $0x1B8E;
	s24 =	sld [smem:$0x3FFE];
	[sflag:s23] =	ssyncadd.s32 $0xFFFFFFFF  }
0xa8: {  	s26 =	simm.s32 $execute0_lowered;
	[smem:$0x3FD2] =	sst s25  }
0xa9: {  	s8 =	sshll.u32 s26, $0x1;
	_ =	strace $0x80000046;
	[dreg:$0x1] =	wrdreg $0xFFFFFFFF  }
0xaa: {  	s28 =	simm.s32 $_size_execute0_lowered;
	s6 =	sadd.s32 s6, s8;
	[dreg:$0x0] =	wrdreg $0x0  }
0xab: {  	s8 =	sshll.u32 s28, $0x1;
	[dreg:$0x2] =	wrdreg s6  }
0xac: {  	[dreg:$0x3] =	wrdreg s8  }
0xad: {  	[dreg:$0x4] =	wrdreg $0xC0  }
0xae: {  	_ =	task [dreg:s10], $0x5FFFF  }
0xaf: {  	[dreg:$0x1] =	wrdreg $0xFFFFFFFF  }
0xb0: {  	[dreg:$0x0] =	wrdreg $0x60  }
0xb1: {  	[dreg:$0x2] =	wrdreg s5  }
0xb2: {  	[dreg:$0x3] =	wrdreg s2  }
0xb3: {  	[dreg:$0x4] =	wrdreg s18  }
0xb4: {  	[dreg:$0x5] =	wrdreg s4  }
0xb5: {  	[dreg:$0x6] =	wrdreg s24  }
0xb6: {  	[dreg:$0x7] =	wrdreg $0x9  }
0xb7: {  	_ =	task.clear_ibuf [dreg:s10], $0x8FFFF;
	_ =	strace $0x90000046  }
0xb8: {  	s29 =	simm.s32 $0x9;
	_ =	strace $0x80000048  }
0xb9: {  	_ =	swait.ge [sflag:s29], $0x1  }
0xba: {  	[sflag:s29] =	ssyncadd.s32 $0xFFFFFFFF  }
0xbb: {  	_ =	strace $0x90000048  }
0xbc: {  	_ =	sfence  }
0xbd: {  	s30 =	sld [smem:$0x0];
	_ =	sdelay $0x2  }
0xbe: {  	s31 =	sshll.u32 s1, $0xD;
	s1 =	sshrl.u32 s1, $0x2  }
0xbf: {  	s3 =	sand.u32 $0x4000, s31;
	s1 =	sadd.s32 s1, s30  }
0xc0: {  	s0 =	sor.u32 s3, s0;
	s1 =	sshll.u32 s1, $0x11  }
0xc1: {  	s0 =	sor.u32 s1, s0  }
0xc2: {  	s0 =	sadd.s32 $0x8F2B, s0  }
0xc3: {  	[sflag:s0] =	ssyncadd.remote.s32 $0x1  }
0xc4: {  	_ =	sfence.sel $0xFFFF  }
0xc5: {  	[dreg:$0x0] =	wrdreg $0xFFFFFFFF;
	(pc) =	sbr.abs _section_cstart, $3  }
0xc6: {  	[dreg:$0x1] =	wrdreg $0xFFFFFFFF  }
0xc7: {  	_ =	task.clear_ibuf [dreg:s10], $0x2FFFF;
	_ =	strace $0x9FFFFFFF  }
0xc8: {  	(tm) =	ssettm $0x7FFFFFFF  }
0xc9: {  	_ =	shalt  }
tec
execute0_lowered:
.L_overlay_start_1:
0x0: {  	(tag) =	ssettag $0x1  }
0x1: {  	s0 =	rddreg [dreg:$0x0]  }
0x2: {  	s1 =	rddreg [dreg:$0x1]  }
0x3: {  	s2 =	rddreg [dreg:$0x2]  }
0x4: {  	s5 =	rddreg [dreg:$0x3]  }
0x5: {  	s3 =	srdreg.scid;
	s8 =	rddreg [dreg:$0x4]  }
0x6: {  	s4 =	stileid.u32;
	s6 =	simm.s32 $0x0;
	s15 =	simm.s32 $0x18000  }
0x7: {  	s16 =	simm.s32 $0x19000;
	s17 =	simm.s32 $0x1A000;
	s18 =	simm.s32 $0x3  }
0x8: {  	s19 =	simm.s32 $0x1B000;
	s20 =	simm.s32 $0x1C000;
	s21 =	simm.s32 $0x1D000  }
0x9: {  	s22 =	simm.s32 $0x1;
	s23 =	simm.s32 $0x8000;
	s24 =	simm.s32 $0x2  }
0xa: {  	s25 =	simm.s32 $0x0;
	s7 =	sand.u32 $0x1, s3;
	s3 =	rddreg [dreg:$0x5]  }
0xb: {  	[smem:$0x7FF] =	sst s6;
	s9 =	sshll.u32 s7, $0x4;
	s7 =	ssub.s32 $0x2, s7  }
0xc: {  	_ =	strace $0x80000047;
	s9 =	sor.u32 s4, s9;
	s30 =	sshrl.u32 s7, $0x1  }
0xd: {  	s10 =	sshll.u32 s9, $0xD;
	s14 =	ssub.s32 s7, s30;
	s31 =	sshll.u32 s9, $0xE  }
0xe: {  	s7 =	sshll.u32 s9, $0x11;
	s13 =	sadd.s32 s10, s8;
	s8 =	sadd.s32 s1, s31  }
0xf: {  	s9 =	sadd.s32 s2, s31;
	s10 =	sadd.s32 s5, s31;
	s11 =	sor.u32 $0x1F000, s7  }
0x10: {  	v0 =	vimm.f32 $0.0e+00;
	s12 =	sor.u32 $0x2000, s7;
	s14 =	smax.u32 s14, $0x1;
	s13 =	sadd.s32 $0x200, s13  }
.LBB2_1:
0x11: {  	[tilespmem:s15], [sflag:$0x1] =	stream.linear.gather [hbm4b:s8+s6], $0x1000, $0x38;
	[tilespmem:$0x1E000] =	vst v63  }
0x12: {  	_ = 	snop  }
0x13: {  	[tilespmem:s16], [sflag:$0x1] =	stream.linear.gather [hbm4b:s9+s6], $0x1000, $0x38;
	[tilespmem:$0x1E000] =	vst v63  }
0x14: {  	_ = 	snop  }
0x15: {  	[tilespmem:s17], [sflag:$0x1] =	stream.linear.gather [hbm4b:s10+s6], $0x1000, $0x38;
	[tilespmem:$0x1E000] =	vst v63  }
0x16: {  	_ = 	snop  }
0x17: {  	[tilespmem:s6], [sflag:$0x3] =	stream.linear.gather [hbm4b:s0+s6], $0x8000, $0x38;
	[tilespmem:$0x1E000] =	vst v63  }
0x18: {  	_ =	swait.ge [sflag:s18], $0x8000  }
0x19: {  	[sflag:s18] =	ssyncset.done $0x0  }
0x1a: {  	s26 =	simm.s32 $0x40;
	s28 =	simm.s32 $0x0;
	[sflag:s18] =	ssyncadd.s32 $0xFFFF8000  }
.LBB2_2:
0x1b: {  	p0 =	sne.s32 s26, $0x3FFC0;
	[tilespmem:s28+$0x8000] =	vst v0;
	s28 =	smov.u32 s26;
	s26 =	sadd.s32 $0x40, s26  }
.Ltmp0:
0x1c: {  	(pc) =	sbr.rel @p0 .LBB2_2-.Ltmp0, $2  }
0x1d: {  	_ =	sdelay $0x2  }
0x1e: {  	s28 =	sshra.s32 s28, $0x2  }
0x1f: {  	[tilespmem:s28+$0x8000] =	vst v0;
	s26 =	simm.s32 $0x0;
	s28 =	simm.s32 $0x0  }
.LBB2_4:
0x20: {  	s29 =	sshll.u32 s28, $0xD  }
0x21: {  	s30 =	sor.u32 s29, s7  }
0x22: {  	s30 =	sshrl.u32 s30, $0x3  }
0x23: {  	s30 =	sor.u32 $0x200, s30  }
0x24: {  	s31 =	sadd.s32 s1, s30  }
0x25: {  	[tilespmem:s19], [sflag:$0x2] =	stream.linear.gather [hbm4b:s31+s26], $0x1000, $0x38;
	[tilespmem:$0x1E000] =	vst v63  }
0x26: {  	s31 =	sadd.s32 s2, s30  }
0x27: {  	[tilespmem:s20], [sflag:$0x2] =	stream.linear.gather [hbm4b:s31+s26], $0x1000, $0x38;
	[tilespmem:$0x1E000] =	vst v63  }
0x28: {  	s30 =	sadd.s32 s5, s30  }
0x29: {  	[tilespmem:s21], [sflag:$0x2] =	stream.linear.gather [hbm4b:s30+s26], $0x1000, $0x38;
	[tilespmem:$0x1E000] =	vst v63  }
0x2a: {  	_ =	swait.ge [sflag:s22], $0x1000  }
0x2b: {  	[sflag:s22] =	ssyncset.done $0x0  }
0x2c: {  	[sflag:s22] =	ssyncadd.s32 $0xFFFFF000  }
0x2d: {  	_ =	swait.ge [sflag:s22], $0x1000  }
0x2e: {  	[sflag:s22] =	ssyncset.done $0x0  }
0x2f: {  	[sflag:s22] =	ssyncadd.s32 $0xFFFFF000  }
0x30: {  	_ =	swait.ge [sflag:s22], $0x1000  }
0x31: {  	[sflag:s22] =	ssyncset.done $0x0  }
0x32: {  	s30 =	simm.s32 $0x0;
	[sflag:s22] =	ssyncadd.s32 $0xFFFFF000  }
.LBB2_5:
0x33: {  	s31 =	sshra.s32 s30, $0x2  }
0x34: {  	v1 =	vld [tilespmem:s31+$0x19000];
	_ =	sdelay $0x4  }
0x35: {  	v2 =	vshrl.u32 v1, $0x1;
	_ =	sdelay $0x4  }
0x36: {  	v2 =	vld.idx.msk [tilespmem:v2+s6+$0x0], $0xffff  }
0x37: {  	v3 =	vld [tilespmem:s31+$0x18000]  }
0x38: {  	v4 =	vld [tilespmem:s31+$0x1A000]  }
0x39: {  	v1 =	vshll.u32 v1, $0x4  }
0x3a: {  	v1 =	vand.u32 $0x10, v1  }
0x3b: {  	v1 =	vshrl.u32 v2, v1  }
0x3c: {  	v1 =	vshll.u32 v1, $0x10  }
0x3d: {  	v1 =	vmul.f32 v1, v4;
	_ =	sdelay $0x1  }
0x3e: {  	[tilespmem:v3+s23+$0x0] =	vst.idx.add.f32.msk $0xffff, v1  }
0x3f: {  	v1 =	vld [tilespmem:s31+$0x19010];
	_ =	sdelay $0x4  }
0x40: {  	v2 =	vshrl.u32 v1, $0x1;
	_ =	sdelay $0x4  }
0x41: {  	v2 =	vld.idx.msk [tilespmem:v2+s6+$0x0], $0xffff  }
0x42: {  	v3 =	vld [tilespmem:s31+$0x18010]  }
0x43: {  	v57 =	vld [tilespmem:s31+$0x1A010]  }
0x44: {  	v1 =	vshll.u32 v1, $0x4  }
0x45: {  	v1 =	vand.u32 $0x10, v1  }
0x46: {  	v1 =	vshrl.u32 v2, v1  }
0x47: {  	v1 =	vshll.u32 v1, $0x10  }
0x48: {  	v1 =	vmul.f32 v1, v57;
	_ =	sdelay $0x1  }
0x49: {  	[tilespmem:v3+s23+$0x0] =	vst.idx.add.f32.msk $0xffff, v1  }
0x4a: {  	v1 =	vld [tilespmem:s31+$0x19020];
	_ =	sdelay $0x4  }
0x4b: {  	v2 =	vshrl.u32 v1, $0x1;
	_ =	sdelay $0x4  }
0x4c: {  	v2 =	vld.idx.msk [tilespmem:v2+s6+$0x0], $0xffff  }
0x4d: {  	v3 =	vld [tilespmem:s31+$0x18020]  }
0x4e: {  	v58 =	vld [tilespmem:s31+$0x1A020]  }
0x4f: {  	v1 =	vshll.u32 v1, $0x4  }
0x50: {  	v1 =	vand.u32 $0x10, v1  }
0x51: {  	v1 =	vshrl.u32 v2, v1  }
0x52: {  	v1 =	vshll.u32 v1, $0x10  }
0x53: {  	v1 =	vmul.f32 v1, v58;
	_ =	sdelay $0x1  }
0x54: {  	[tilespmem:v3+s23+$0x0] =	vst.idx.add.f32.msk $0xffff, v1  }
0x55: {  	v1 =	vld [tilespmem:s31+$0x19030];
	_ =	sdelay $0x4  }
0x56: {  	v2 =	vshrl.u32 v1, $0x1;
	_ =	sdelay $0x4  }
0x57: {  	v2 =	vld.idx.msk [tilespmem:v2+s6+$0x0], $0xffff  }
0x58: {  	v3 =	vld [tilespmem:s31+$0x18030]  }
0x59: {  	v59 =	vld [tilespmem:s31+$0x1A030]  }
0x5a: {  	v1 =	vshll.u32 v1, $0x4  }
0x5b: {  	v1 =	vand.u32 $0x10, v1  }
0x5c: {  	v1 =	vshrl.u32 v2, v1  }
0x5d: {  	v1 =	vshll.u32 v1, $0x10  }
0x5e: {  	v1 =	vmul.f32 v1, v59;
	_ =	sdelay $0x1  }
0x5f: {  	[tilespmem:v3+s23+$0x0] =	vst.idx.add.f32.msk $0xffff, v1  }
0x60: {  	v1 =	vld [tilespmem:s31+$0x19040];
	_ =	sdelay $0x4  }
0x61: {  	v2 =	vshrl.u32 v1, $0x1;
	_ =	sdelay $0x4  }
0x62: {  	v2 =	vld.idx.msk [tilespmem:v2+s6+$0x0], $0xffff  }
0x63: {  	v3 =	vld [tilespmem:s31+$0x18040]  }
0x64: {  	v60 =	vld [tilespmem:s31+$0x1A040]  }
0x65: {  	v1 =	vshll.u32 v1, $0x4  }
0x66: {  	v1 =	vand.u32 $0x10, v1  }
0x67: {  	v1 =	vshrl.u32 v2, v1  }
0x68: {  	v1 =	vshll.u32 v1, $0x10  }
0x69: {  	v1 =	vmul.f32 v1, v60;
	_ =	sdelay $0x1  }
0x6a: {  	[tilespmem:v3+s23+$0x0] =	vst.idx.add.f32.msk $0xffff, v1  }
0x6b: {  	v1 =	vld [tilespmem:s31+$0x19050];
	_ =	sdelay $0x4  }
0x6c: {  	v2 =	vshrl.u32 v1, $0x1;
	_ =	sdelay $0x4  }
0x6d: {  	v2 =	vld.idx.msk [tilespmem:v2+s6+$0x0], $0xffff  }
0x6e: {  	v3 =	vld [tilespmem:s31+$0x18050]  }
0x6f: {  	v61 =	vld [tilespmem:s31+$0x1A050]  }
0x70: {  	v1 =	vshll.u32 v1, $0x4  }
0x71: {  	v1 =	vand.u32 $0x10, v1  }
0x72: {  	v1 =	vshrl.u32 v2, v1  }
0x73: {  	v1 =	vshll.u32 v1, $0x10  }
0x74: {  	v1 =	vmul.f32 v1, v61;
	_ =	sdelay $0x1  }
0x75: {  	[tilespmem:v3+s23+$0x0] =	vst.idx.add.f32.msk $0xffff, v1  }
0x76: {  	v1 =	vld [tilespmem:s31+$0x19060];
	_ =	sdelay $0x4  }
0x77: {  	v2 =	vshrl.u32 v1, $0x1;
	_ =	sdelay $0x4  }
0x78: {  	v2 =	vld.idx.msk [tilespmem:v2+s6+$0x0], $0xffff  }
0x79: {  	v3 =	vld [tilespmem:s31+$0x18060]  }
0x7a: {  	v62 =	vld [tilespmem:s31+$0x1A060]  }
0x7b: {  	v1 =	vshll.u32 v1, $0x4  }
0x7c: {  	v1 =	vand.u32 $0x10, v1  }
0x7d: {  	v1 =	vshrl.u32 v2, v1  }
0x7e: {  	v1 =	vshll.u32 v1, $0x10  }
0x7f: {  	v1 =	vmul.f32 v1, v62;
	_ =	sdelay $0x1  }
0x80: {  	[tilespmem:v3+s23+$0x0] =	vst.idx.add.f32.msk $0xffff, v1  }
0x81: {  	v1 =	vld [tilespmem:s31+$0x19070];
	_ =	sdelay $0x4  }
0x82: {  	v2 =	vshrl.u32 v1, $0x1;
	_ =	sdelay $0x4  }
0x83: {  	v2 =	vld.idx.msk [tilespmem:v2+s6+$0x0], $0xffff  }
0x84: {  	v3 =	vld [tilespmem:s31+$0x18070]  }
0x85: {  	v63 =	vld [tilespmem:s31+$0x1A070]  }
0x86: {  	v1 =	vshll.u32 v1, $0x4  }
0x87: {  	p0 =	sne.s32 s30, $0x3E00;
	v1 =	vand.u32 $0x10, v1  }
.Ltmp1:
0x88: {  	v1 =	vshrl.u32 v2, v1;
	(pc) =	sbr.rel @p0 .LBB2_5-.Ltmp1, $3  }
0x89: {  	v1 =	vshll.u32 v1, $0x10  }
0x8a: {  	v1 =	vmul.f32 v1, v63;
	_ =	sdelay $0x1  }
0x8b: {  	s30 =	sadd.s32 $0x200, s30;
	[tilespmem:v3+s23+$0x0] =	vst.idx.add.f32.msk $0xffff, v1  }
0x8c: {  	s29 =	sadd.s32 s29, s12  }
0x8d: {  	s29 =	smin.u32 s29, s11  }
0x8e: {  	s30 =	sshrl.u32 s29, $0x3  }
0x8f: {  	s29 =	simm.s32 $0x0;
	s31 =	sadd.s32 s1, s30  }
0x90: {  	[tilespmem:s15], [sflag:$0x1] =	stream.linear.gather [hbm4b:s31+s29], $0x1000, $0x38;
	[tilespmem:$0x1E000] =	vst v63  }
0x91: {  	s31 =	sadd.s32 s2, s30  }
0x92: {  	[tilespmem:s16], [sflag:$0x1] =	stream.linear.gather [hbm4b:s31+s29], $0x1000, $0x38;
	[tilespmem:$0x1E000] =	vst v63  }
0x93: {  	s30 =	sadd.s32 s5, s30  }
0x94: {  	[tilespmem:s17], [sflag:$0x1] =	stream.linear.gather [hbm4b:s30+s29], $0x1000, $0x38;
	[tilespmem:$0x1E000] =	vst v63  }
0x95: {  	_ =	swait.ge [sflag:s24], $0x1000  }
0x96: {  	[sflag:s24] =	ssyncset.done $0x0  }
0x97: {  	[sflag:s24] =	ssyncadd.s32 $0xFFFFF000  }
0x98: {  	_ =	swait.ge [sflag:s24], $0x1000  }
0x99: {  	[sflag:s24] =	ssyncset.done $0x0  }
0x9a: {  	[sflag:s24] =	ssyncadd.s32 $0xFFFFF000  }
0x9b: {  	_ =	swait.ge [sflag:s24], $0x1000  }
0x9c: {  	[sflag:s24] =	ssyncset.done $0x0  }
0x9d: {  	[sflag:s24] =	ssyncadd.s32 $0xFFFFF000  }
.LBB2_7:
0x9e: {  	s30 =	sshra.s32 s29, $0x2  }
0x9f: {  	v1 =	vld [tilespmem:s30+$0x1C000];
	_ =	sdelay $0x4  }
0xa0: {  	v2 =	vshrl.u32 v1, $0x1;
	_ =	sdelay $0x4  }
0xa1: {  	v2 =	vld.idx.msk [tilespmem:v2+s6+$0x0], $0xffff  }
0xa2: {  	v3 =	vld [tilespmem:s30+$0x1B000]  }
0xa3: {  	v4 =	vld [tilespmem:s30+$0x1D000]  }
0xa4: {  	v1 =	vshll.u32 v1, $0x4  }
0xa5: {  	v1 =	vand.u32 $0x10, v1  }
0xa6: {  	v1 =	vshrl.u32 v2, v1  }
0xa7: {  	v1 =	vshll.u32 v1, $0x10  }
0xa8: {  	v1 =	vmul.f32 v1, v4;
	_ =	sdelay $0x1  }
0xa9: {  	[tilespmem:v3+s23+$0x0] =	vst.idx.add.f32.msk $0xffff, v1  }
0xaa: {  	v1 =	vld [tilespmem:s30+$0x1C010];
	_ =	sdelay $0x4  }
0xab: {  	v2 =	vshrl.u32 v1, $0x1;
	_ =	sdelay $0x4  }
0xac: {  	v2 =	vld.idx.msk [tilespmem:v2+s6+$0x0], $0xffff  }
0xad: {  	v3 =	vld [tilespmem:s30+$0x1B010]  }
0xae: {  	v57 =	vld [tilespmem:s30+$0x1D010]  }
0xaf: {  	v1 =	vshll.u32 v1, $0x4  }
0xb0: {  	v1 =	vand.u32 $0x10, v1  }
0xb1: {  	v1 =	vshrl.u32 v2, v1  }
0xb2: {  	v1 =	vshll.u32 v1, $0x10  }
0xb3: {  	v1 =	vmul.f32 v1, v57;
	_ =	sdelay $0x1  }
0xb4: {  	[tilespmem:v3+s23+$0x0] =	vst.idx.add.f32.msk $0xffff, v1  }
0xb5: {  	v1 =	vld [tilespmem:s30+$0x1C020];
	_ =	sdelay $0x4  }
0xb6: {  	v2 =	vshrl.u32 v1, $0x1;
	_ =	sdelay $0x4  }
0xb7: {  	v2 =	vld.idx.msk [tilespmem:v2+s6+$0x0], $0xffff  }
0xb8: {  	v3 =	vld [tilespmem:s30+$0x1B020]  }
0xb9: {  	v58 =	vld [tilespmem:s30+$0x1D020]  }
0xba: {  	v1 =	vshll.u32 v1, $0x4  }
0xbb: {  	v1 =	vand.u32 $0x10, v1  }
0xbc: {  	v1 =	vshrl.u32 v2, v1  }
0xbd: {  	v1 =	vshll.u32 v1, $0x10  }
0xbe: {  	v1 =	vmul.f32 v1, v58;
	_ =	sdelay $0x1  }
0xbf: {  	[tilespmem:v3+s23+$0x0] =	vst.idx.add.f32.msk $0xffff, v1  }
0xc0: {  	v1 =	vld [tilespmem:s30+$0x1C030];
	_ =	sdelay $0x4  }
0xc1: {  	v2 =	vshrl.u32 v1, $0x1;
	_ =	sdelay $0x4  }
0xc2: {  	v2 =	vld.idx.msk [tilespmem:v2+s6+$0x0], $0xffff  }
0xc3: {  	v3 =	vld [tilespmem:s30+$0x1B030]  }
0xc4: {  	v59 =	vld [tilespmem:s30+$0x1D030]  }
0xc5: {  	v1 =	vshll.u32 v1, $0x4  }
0xc6: {  	v1 =	vand.u32 $0x10, v1  }
0xc7: {  	v1 =	vshrl.u32 v2, v1  }
0xc8: {  	v1 =	vshll.u32 v1, $0x10  }
0xc9: {  	v1 =	vmul.f32 v1, v59;
	_ =	sdelay $0x1  }
0xca: {  	[tilespmem:v3+s23+$0x0] =	vst.idx.add.f32.msk $0xffff, v1  }
0xcb: {  	v1 =	vld [tilespmem:s30+$0x1C040];
	_ =	sdelay $0x4  }
0xcc: {  	v2 =	vshrl.u32 v1, $0x1;
	_ =	sdelay $0x4  }
0xcd: {  	v2 =	vld.idx.msk [tilespmem:v2+s6+$0x0], $0xffff  }
0xce: {  	v3 =	vld [tilespmem:s30+$0x1B040]  }
0xcf: {  	v60 =	vld [tilespmem:s30+$0x1D040]  }
0xd0: {  	v1 =	vshll.u32 v1, $0x4  }
0xd1: {  	v1 =	vand.u32 $0x10, v1  }
0xd2: {  	v1 =	vshrl.u32 v2, v1  }
0xd3: {  	v1 =	vshll.u32 v1, $0x10  }
0xd4: {  	v1 =	vmul.f32 v1, v60;
	_ =	sdelay $0x1  }
0xd5: {  	[tilespmem:v3+s23+$0x0] =	vst.idx.add.f32.msk $0xffff, v1  }
0xd6: {  	v1 =	vld [tilespmem:s30+$0x1C050];
	_ =	sdelay $0x4  }
0xd7: {  	v2 =	vshrl.u32 v1, $0x1;
	_ =	sdelay $0x4  }
0xd8: {  	v2 =	vld.idx.msk [tilespmem:v2+s6+$0x0], $0xffff  }
0xd9: {  	v3 =	vld [tilespmem:s30+$0x1B050]  }
0xda: {  	v61 =	vld [tilespmem:s30+$0x1D050]  }
0xdb: {  	v1 =	vshll.u32 v1, $0x4  }
0xdc: {  	v1 =	vand.u32 $0x10, v1  }
0xdd: {  	v1 =	vshrl.u32 v2, v1  }
0xde: {  	v1 =	vshll.u32 v1, $0x10  }
0xdf: {  	v1 =	vmul.f32 v1, v61;
	_ =	sdelay $0x1  }
0xe0: {  	[tilespmem:v3+s23+$0x0] =	vst.idx.add.f32.msk $0xffff, v1  }
0xe1: {  	v1 =	vld [tilespmem:s30+$0x1C060];
	_ =	sdelay $0x4  }
0xe2: {  	v2 =	vshrl.u32 v1, $0x1;
	_ =	sdelay $0x4  }
0xe3: {  	v2 =	vld.idx.msk [tilespmem:v2+s6+$0x0], $0xffff  }
0xe4: {  	v3 =	vld [tilespmem:s30+$0x1B060]  }
0xe5: {  	v62 =	vld [tilespmem:s30+$0x1D060]  }
0xe6: {  	v1 =	vshll.u32 v1, $0x4  }
0xe7: {  	v1 =	vand.u32 $0x10, v1  }
0xe8: {  	v1 =	vshrl.u32 v2, v1  }
0xe9: {  	v1 =	vshll.u32 v1, $0x10  }
0xea: {  	v1 =	vmul.f32 v1, v62;
	_ =	sdelay $0x1  }
0xeb: {  	[tilespmem:v3+s23+$0x0] =	vst.idx.add.f32.msk $0xffff, v1  }
0xec: {  	v1 =	vld [tilespmem:s30+$0x1C070];
	_ =	sdelay $0x4  }
0xed: {  	v2 =	vshrl.u32 v1, $0x1;
	_ =	sdelay $0x4  }
0xee: {  	v2 =	vld.idx.msk [tilespmem:v2+s6+$0x0], $0xffff  }
0xef: {  	v3 =	vld [tilespmem:s30+$0x1B070]  }
0xf0: {  	v63 =	vld [tilespmem:s30+$0x1D070]  }
0xf1: {  	v1 =	vshll.u32 v1, $0x4  }
0xf2: {  	p0 =	sne.s32 s29, $0x3E00;
	v1 =	vand.u32 $0x10, v1  }
.Ltmp2:
0xf3: {  	v1 =	vshrl.u32 v2, v1;
	(pc) =	sbr.rel @p0 .LBB2_7-.Ltmp2, $3  }
0xf4: {  	v1 =	vshll.u32 v1, $0x10  }
0xf5: {  	v1 =	vmul.f32 v1, v63;
	_ =	sdelay $0x1  }
0xf6: {  	s29 =	sadd.s32 $0x200, s29;
	[tilespmem:v3+s23+$0x0] =	vst.idx.add.f32.msk $0xffff, v1  }
0xf7: {  	s28 =	sadd.s32 $0x1, s28  }
0xf8: {  	p0 =	sne.s32 s28, $0x10  }
.Ltmp3:
0xf9: {  	_ = 	snop;
	(pc) =	sbr.rel @p0 .LBB2_4-.Ltmp3, $1  }
0xfa: {  	_ =	sdelay $0x3  }
0xfb: {  	_ =	swait.ge [sflag:s22], $0x1000  }
0xfc: {  	[sflag:s22] =	ssyncset.done $0x0  }
0xfd: {  	[sflag:s22] =	ssyncadd.s32 $0xFFFFF000  }
0xfe: {  	_ =	swait.ge [sflag:s22], $0x1000  }
0xff: {  	[sflag:s22] =	ssyncset.done $0x0  }
0x100: {  	[sflag:s22] =	ssyncadd.s32 $0xFFFFF000  }
0x101: {  	s25 =	sadd.s32 $0x1, s25;
	_ =	swait.ge [sflag:s22], $0x1000  }
0x102: {  	p0 =	sne.s32 s25, s14;
	[sflag:s22] =	ssyncset.done $0x0  }
.Ltmp4:
0x103: {  	[sflag:s22] =	ssyncadd.s32 $0xFFFFF000;
	(pc) =	sbr.rel @p0 .LBB2_1-.Ltmp4, $4  }
0x104: {  	[hbm4b:s13+s6] =	stream.linear.scatter [tilespmem:s23], [sflag:$0x3], $0x10000, $0x38;
	[tilespmem:$0x1E000] =	vst v63  }
0x105: {  	_ =	swait.ge [sflag:s18], $0x10000  }
0x106: {  	[sflag:s18] =	ssyncset.done $0x0  }
0x107: {  	[sflag:s18] =	ssyncadd.s32 $0xFFFF0000  }
0x108: {  	_ =	sfence.sel $0x180000  }
0x109: {  	[bflag:$0x0] =	sbarrier.arrive $0xFFFF  }
0x10a: {  	p0 =	sne.s32 s4, $0x0;
	_ =	strace $0x90000047  }
0x10b: {  	s0 =	sadd.s32 @!p0 $0x100000, s3;
	[bflag:$0x2] =	sbarrier.arrive $0xFFFF  }
0x10c: {  	[sflag:s0] =	ssyncadd.tile.s32 @!p0 $0x1;
	_ =	shalt  }
.Lfunc_end2:
_tile_overlayer_lowered:
.L_overlay_start_2:
0x10d: {  	(tag) =	ssettag $0x2  }
0x10e: {  	s0 =	rddreg [dreg:$0x0];
	s2 =	stileid.u32  }
0x10f: {  	s1 =	rddreg [dreg:$0x1];
	p0 =	sne.s32 s2, $0x0  }
0x110: {  	s3 =	rddreg [dreg:$0x2];
	[bflag:$0x3] =	sbarrier.arrive $0xFFFF;
	s2 =	simm.s32 @!p0 $0x1C03  }
0x111: {  	[timem:s3], [sflag:s2] =	dma.local @!p0 [hbm:s0], s1  }
0x112: {  	s0 =	simm.s32 @!p0 $0x3  }
0x113: {  	_ =	swait.ge @!p0 [sflag:s0], s1  }
0x114: {  	s1 =	ssub.s32 @!p0 $0x0, s1;
	[sflag:s0] =	ssyncset.done @!p0 $0x0  }
0x115: {  	[sflag:s0] =	ssyncadd.s32 @!p0 s1  }
0x116: {  	[bflag:$0x3] =	sbarrier.arrive $0xFFFF  }
0x117: {  	_ =	shalt  }

</sc_bundles>
